<compile_context>
chip_gen: v7x
topology: tpu7x:2x2x1
jax: 0.10.2.dev20260603
libtpu: 0.0.44.dev20260713+nightly
codegen_flags: <defaults>
</compile_context>

<pallas_src>
import functools

import jax
import jax.numpy as jnp
from jax import lax
from jax.experimental import pallas as pl
from jax.experimental.pallas import tpu as pltpu
from jax.experimental.pallas import tpu_sc as plsc

N_PTS = 4194304
NW = 32
PER_W = N_PTS // NW
W = 4096
N_WIN = PER_W // W
NG = 1000000
NG_PAD = 1048576
CHUNK = NG_PAD // 16
N_STAGE = CHUNK // W

_mesh = plsc.VectorSubcoreMesh(core_axis_name="c", subcore_axis_name="s")

_SCRATCH = []
for _ in range(2):
    _SCRATCH += [
        pltpu.VMEM((W,), jnp.int32),
        pltpu.VMEM((W,), jnp.float32),
        pltpu.VMEM((W,), jnp.float32),
        pltpu.VMEM((W,), jnp.float32),
        pltpu.VMEM((W,), jnp.float32),
        pltpu.VMEM((W,), jnp.float32),
    ]
_SCRATCH += [pltpu.VMEM_SHARED((NG_PAD,), jnp.float32)]
_SCRATCH += [pltpu.SemaphoreType.DMA] * 10


@functools.partial(
    pl.kernel,
    mesh=_mesh,
    out_type=jax.ShapeDtypeStruct((N_PTS,), jnp.float32),
    scratch_types=_SCRATCH,
)
def _sc_calibrate(gas_hbm, disk_hbm, bulge_hbm, gid_hbm, lu_hbm, out_hbm,
                  idx0, ups0, gas0, disk0, bulge0, out0,
                  idx1, ups1, gas1, disk1, bulge1, out1, table_sp,
                  s_idx0, s_idx1, s_in0, s_in1, s_g0, s_g1, s_out0, s_out1,
                  s_h2v, s_v2s):
    sid = lax.axis_index("s")
    wid = sid * 2 + lax.axis_index("c")
    IDX = (idx0, idx1)
    UPS = (ups0, ups1)
    GAS = (gas0, gas1)
    DISK = (disk0, disk1)
    BULGE = (bulge0, bulge1)
    OUT = (out0, out1)
    S_IDX = (s_idx0, s_idx1)
    S_IN = (s_in0, s_in1)
    S_G = (s_g0, s_g1)
    S_OUT = (s_out0, s_out1)

    def issue_idx(g, b):
        base = wid * PER_W + jnp.minimum(g, N_WIN - 1) * W
        pltpu.async_copy(gid_hbm.at[pl.ds(base, W)], IDX[b], S_IDX[b])

    def issue_streams(g, b):
        base = wid * PER_W + jnp.minimum(g, N_WIN - 1) * W
        sl = pl.ds(base, W)
        pltpu.async_copy(gas_hbm.at[sl], GAS[b], S_IN[b])
        pltpu.async_copy(disk_hbm.at[sl], DISK[b], S_IN[b])
        pltpu.async_copy(bulge_hbm.at[sl], BULGE[b], S_IN[b])

    def wait_idx(b):
        pltpu.make_async_copy(gid_hbm.at[pl.ds(0, W)], IDX[b], S_IDX[b]).wait()

    def wait_in(b):
        c = pltpu.make_async_copy(gas_hbm.at[pl.ds(0, W)], GAS[b], S_IN[b])
        c.wait(); c.wait(); c.wait()

    def issue_gather(b):
        pltpu.async_copy(table_sp.at[IDX[b]], UPS[b], S_G[b])

    def wait_gather(b):
        pltpu.make_async_copy(table_sp.at[IDX[b]], UPS[b], S_G[b]).wait()

    def wait_out(b):
        pltpu.make_async_copy(OUT[b], out_hbm.at[pl.ds(0, W)], S_OUT[b]).wait()

    issue_idx(0, 0)
    issue_idx(1, 1)
    sl0 = pl.ds(wid * PER_W, W)
    pltpu.async_copy(gas_hbm.at[sl0], GAS[0], S_IN[0])
    pltpu.async_copy(disk_hbm.at[sl0], DISK[0], S_IN[0])

    bounce = (out0, out1, bulge0, bulge1)

    def stage_h2v(k):
        st = pl.ds(sid * CHUNK + k * W, W)
        pltpu.async_copy(lu_hbm.at[st], bounce[k % 4], s_h2v)

    def wait_v2s():
        pltpu.make_async_copy(bounce[0], table_sp.at[pl.ds(0, W)],
                              s_v2s).wait()

    for k in range(4):
        stage_h2v(k)
    v2s_waited = 0
    for k in range(N_STAGE):
        st = pl.ds(sid * CHUNK + k * W, W)
        pltpu.make_async_copy(lu_hbm.at[pl.ds(0, W)], bounce[k % 4],
                              s_h2v).wait()
        pltpu.async_copy(bounce[k % 4], table_sp.at[st], s_v2s)
        if k + 4 < N_STAGE:
            while v2s_waited <= k:
                wait_v2s()
                v2s_waited += 1
            stage_h2v(k + 4)
    while v2s_waited < N_STAGE:
        wait_v2s()
        v2s_waited += 1
    plsc.subcore_barrier()

    pltpu.async_copy(bulge_hbm.at[sl0], BULGE[0], S_IN[0])
    wait_idx(0)
    issue_gather(0)

    def window(g, b, do_out_wait):
        nb = 1 - b
        wait_idx(nb)
        issue_gather(nb)
        issue_streams(g + 1, nb)
        wait_in(b)
        wait_gather(b)
        if do_out_wait:
            wait_out(b)
        issue_idx(g + 2, b)

        @plsc.parallel_loop(0, W // 16, unroll=8)
        def _body(j):
            v = pl.ds(j * 16, 16)
            u = 0.5 * jnp.exp(UPS[b][v])
            OUT[b][v] = jnp.maximum(
                GAS[b][v] + u * (DISK[b][v] + BULGE[b][v]), 1e-14)
        base = wid * PER_W + g * W
        pltpu.async_copy(OUT[b], out_hbm.at[pl.ds(base, W)], S_OUT[b])

    window(0, 0, do_out_wait=False)
    window(1, 1, do_out_wait=False)

    def pair(p, carry):
        window(2 * p, 0, do_out_wait=True)
        window(2 * p + 1, 1, do_out_wait=True)
        return carry

    lax.fori_loop(1, N_WIN // 2, pair, 0)

    wait_in(0)
    wait_gather(0)
    wait_idx(1)
    wait_out(0)
    wait_out(1)


def kernel(g_gas, g_disk, g_bulge, galaxy_id, log_Upsilon):
    lu_pad = jnp.pad(log_Upsilon, (0, NG_PAD - NG))
    return _sc_calibrate(g_gas, g_disk, g_bulge,
                         galaxy_id.astype(jnp.int32), lu_pad)

# --- scband reference (transcript-rebuilt; emitter-appended) ---
"""Pipeline reference for scband-galaxy-calibrator-35966056137186 (READ-ONLY COPY).

The authoritative reference and input builder live on the scoring server;
editing this copy changes nothing except your own understanding.
"""

import jax, jax.numpy as jnp
import numpy as np

N_GALAXIES = 1000000
N_POINTS = 4194304

def setup_inputs(seed: int = 0) -> dict:
    key = jax.random.key(seed)
    k1, k2, k3, k4, k5 = jax.random.split(key, 5)
    g_gas = jax.random.uniform(k1, (N_POINTS,), dtype=jnp.float32)
    g_disk = jax.random.uniform(k2, (N_POINTS,), dtype=jnp.float32)
    g_bulge = jax.random.uniform(k3, (N_POINTS,), dtype=jnp.float32)
    galaxy_id = jax.random.randint(k4, (N_POINTS,), 0, N_GALAXIES, dtype=jnp.int64 if jax.config.read('jax_enable_x64') else jnp.int32)
    # learned parameter: per-galaxy log mass-to-light ratio (initialized to zeros as in nn.Parameter(torch.zeros(...)))
    log_Upsilon = jnp.zeros((N_GALAXIES,), dtype=jnp.float32)
    return {"g_gas": g_gas, "g_disk": g_disk, "g_bulge": g_bulge, "galaxy_id": galaxy_id, "log_Upsilon": log_Upsilon}

def reference(g_gas, g_disk, g_bulge, galaxy_id, log_Upsilon):
    # gather per-galaxy parameter (embedding-style lookup)
    Upsilon = 0.5 * jnp.exp(jnp.take(log_Upsilon, galaxy_id, axis=0))
    g_bar_new = g_gas + Upsilon * (g_disk + g_bulge)
    # torch .clamp(min=1e-14) == elementwise maximum
    return jnp.maximum(g_bar_new, 1e-14)

if __name__ == "__main__":
    import jax
    _d = setup_inputs()
    print(jax.jit(kernel)(*tuple(_d.values())))

</pallas_src>

<mosaic_0001>
#map = affine_map<(d0, d1) -> (0)>
module attributes {stable_mosaic.version = 14 : i64} {
  func.func @_sc_calibrate(%arg0: i32, %arg1: i32, %arg2: memref<4194304xf32, #tpu.memory_space<hbm>>, %arg3: memref<4194304xf32, #tpu.memory_space<hbm>>, %arg4: memref<4194304xf32, #tpu.memory_space<hbm>>, %arg5: memref<4194304xi32, #tpu.memory_space<hbm>>, %arg6: memref<1048576xf32, #tpu.memory_space<hbm>>, %arg7: memref<4194304xf32, #tpu.memory_space<hbm>>, %arg8: memref<4096xi32, #tpu.memory_space<vmem>>, %arg9: memref<4096xf32, #tpu.memory_space<vmem>>, %arg10: memref<4096xf32, #tpu.memory_space<vmem>>, %arg11: memref<4096xf32, #tpu.memory_space<vmem>>, %arg12: memref<4096xf32, #tpu.memory_space<vmem>>, %arg13: memref<4096xf32, #tpu.memory_space<vmem>>, %arg14: memref<4096xi32, #tpu.memory_space<vmem>>, %arg15: memref<4096xf32, #tpu.memory_space<vmem>>, %arg16: memref<4096xf32, #tpu.memory_space<vmem>>, %arg17: memref<4096xf32, #tpu.memory_space<vmem>>, %arg18: memref<4096xf32, #tpu.memory_space<vmem>>, %arg19: memref<4096xf32, #tpu.memory_space<vmem>>, %arg20: memref<1048576xf32, #tpu.memory_space<vmem_shared>>, %arg21: memref<!tpu.dma_semaphore, #tpu.memory_space<semaphore_mem>>, %arg22: memref<!tpu.dma_semaphore, #tpu.memory_space<semaphore_mem>>, %arg23: memref<!tpu.dma_semaphore, #tpu.memory_space<semaphore_mem>>, %arg24: memref<!tpu.dma_semaphore, #tpu.memory_space<semaphore_mem>>, %arg25: memref<!tpu.dma_semaphore, #tpu.memory_space<semaphore_mem>>, %arg26: memref<!tpu.dma_semaphore, #tpu.memory_space<semaphore_mem>>, %arg27: memref<!tpu.dma_semaphore, #tpu.memory_space<semaphore_mem>>, %arg28: memref<!tpu.dma_semaphore, #tpu.memory_space<semaphore_mem>>, %arg29: memref<!tpu.dma_semaphore, #tpu.memory_space<semaphore_mem>>, %arg30: memref<!tpu.dma_semaphore, #tpu.memory_space<semaphore_mem>>) attributes {dimension_semantics = [#tpu.dimension_semantics<core_parallel>, #tpu.dimension_semantics<subcore_parallel>], iteration_bounds = array<i64: 2, 16>, scalar_prefetch = 0 : i64, scratch_operands = 23 : i64, tpu.core_type = #tpu.core_type<sc_vector_subcore>, window_params = [{transform_indices = #map}, {transform_indices = #map}, {transform_indices = #map}, {transform_indices = #map}, {transform_indices = #map}, {transform_indices = #map}]} {
    %mul3A = arith.constant 2 : i32
    %mul3A_0 = arith.muli %arg1, %mul3A : i32
    %add3A = arith.addi %mul3A_0, %arg0 : i32
    %mul3A_1 = arith.constant 131072 : i32
    %mul3A_2 = arith.muli %add3A, %mul3A_1 : i32
    %min3A = arith.constant 0 : i32
    %min3A_3 = arith.constant 31 : i32
    %min3A_4 = arith.minsi %min3A, %min3A_3 : i32
    %mul3A_5 = arith.constant 4096 : i32
    %mul3A_6 = arith.muli %min3A_4, %mul3A_5 : i32
    %add3A_7 = arith.addi %mul3A_2, %mul3A_6 : i32
    %dma_start3A = tpu.memref_slice %arg5[%add3A_7] : memref<4194304xi32, #tpu.memory_space<hbm>> -> memref<4096xi32, #tpu.memory_space<hbm>>
    %dma_start3A_8 = tpu.memref_slice %arg5[%add3A_7] : memref<4194304xi32, #tpu.memory_space<hbm>> -> memref<4096xi32, #tpu.memory_space<hbm>>
    tpu.enqueue_dma source(%dma_start3A_8 : memref<4096xi32, #tpu.memory_space<hbm>>) target(%arg8 : memref<4096xi32, #tpu.memory_space<vmem>>) target_semaphore(%arg21 : memref<!tpu.dma_semaphore, #tpu.memory_space<semaphore_mem>>)
    %mul3A_9 = arith.constant 131072 : i32
    %mul3A_10 = arith.muli %add3A, %mul3A_9 : i32
    %min3A_11 = arith.constant 1 : i32
    %min3A_12 = arith.constant 31 : i32
    %min3A_13 = arith.minsi %min3A_11, %min3A_12 : i32
    %mul3A_14 = arith.constant 4096 : i32
    %mul3A_15 = arith.muli %min3A_13, %mul3A_14 : i32
    %add3A_16 = arith.addi %mul3A_10, %mul3A_15 : i32
    %dma_start3A_17 = tpu.memref_slice %arg5[%add3A_16] : memref<4194304xi32, #tpu.memory_space<hbm>> -> memref<4096xi32, #tpu.memory_space<hbm>>
    %dma_start3A_18 = tpu.memref_slice %arg5[%add3A_16] : memref<4194304xi32, #tpu.memory_space<hbm>> -> memref<4096xi32, #tpu.memory_space<hbm>>
    tpu.enqueue_dma source(%dma_start3A_18 : memref<4096xi32, #tpu.memory_space<hbm>>) target(%arg14 : memref<4096xi32, #tpu.memory_space<vmem>>) target_semaphore(%arg22 : memref<!tpu.dma_semaphore, #tpu.memory_space<semaphore_mem>>)
    %mul3A_19 = arith.constant 131072 : i32
    %mul3A_20 = arith.muli %add3A, %mul3A_19 : i32
    %dma_start3A_21 = tpu.memref_slice %arg2[%mul3A_20] : memref<4194304xf32, #tpu.memory_space<hbm>> -> memref<4096xf32, #tpu.memory_space<hbm>>
    %dma_start3A_22 = tpu.memref_slice %arg2[%mul3A_20] : memref<4194304xf32, #tpu.memory_space<hbm>> -> memref<4096xf32, #tpu.memory_space<hbm>>
    tpu.enqueue_dma source(%dma_start3A_22 : memref<4096xf32, #tpu.memory_space<hbm>>) target(%arg10 : memref<4096xf32, #tpu.memory_space<vmem>>) target_semaphore(%arg23 : memref<!tpu.dma_semaphore, #tpu.memory_space<semaphore_mem>>)
    %dma_start3A_23 = tpu.memref_slice %arg3[%mul3A_20] : memref<4194304xf32, #tpu.memory_space<hbm>> -> memref<4096xf32, #tpu.memory_space<hbm>>
    %dma_start3A_24 = tpu.memref_slice %arg3[%mul3A_20] : memref<4194304xf32, #tpu.memory_space<hbm>> -> memref<4096xf32, #tpu.memory_space<hbm>>
    tpu.enqueue_dma source(%dma_start3A_24 : memref<4096xf32, #tpu.memory_space<hbm>>) target(%arg11 : memref<4096xf32, #tpu.memory_space<vmem>>) target_semaphore(%arg23 : memref<!tpu.dma_semaphore, #tpu.memory_space<semaphore_mem>>)
    %mul3A_25 = arith.constant 65536 : i32
    %mul3A_26 = arith.muli %arg1, %mul3A_25 : i32
    %add3A_27 = arith.constant 0 : i32
    %add3A_28 = arith.addi %mul3A_26, %add3A_27 : i32
    %dma_start3A_29 = tpu.memref_slice %arg6[%add3A_28] : memref<1048576xf32, #tpu.memory_space<hbm>> -> memref<4096xf32, #tpu.memory_space<hbm>>
    %dma_start3A_30 = tpu.memref_slice %arg6[%add3A_28] : memref<1048576xf32, #tpu.memory_space<hbm>> -> memref<4096xf32, #tpu.memory_space<hbm>>
    tpu.enqueue_dma source(%dma_start3A_30 : memref<4096xf32, #tpu.memory_space<hbm>>) target(%arg13 : memref<4096xf32, #tpu.memory_space<vmem>>) target_semaphore(%arg29 : memref<!tpu.dma_semaphore, #tpu.memory_space<semaphore_mem>>)
    %mul3A_31 = arith.constant 65536 : i32
    %mul3A_32 = arith.muli %arg1, %mul3A_31 : i32
    %add3A_33 = arith.constant 4096 : i32
    %add3A_34 = arith.addi %mul3A_32, %add3A_33 : i32
    %dma_start3A_35 = tpu.memref_slice %arg6[%add3A_34] : memref<1048576xf32, #tpu.memory_space<hbm>> -> memref<4096xf32, #tpu.memory_space<hbm>>
    %dma_start3A_36 = tpu.memref_slice %arg6[%add3A_34] : memref<1048576xf32, #tpu.memory_space<hbm>> -> memref<4096xf32, #tpu.memory_space<hbm>>
    tpu.enqueue_dma source(%dma_start3A_36 : memref<4096xf32, #tpu.memory_space<hbm>>) target(%arg19 : memref<4096xf32, #tpu.memory_space<vmem>>) target_semaphore(%arg29 : memref<!tpu.dma_semaphore, #tpu.memory_space<semaphore_mem>>)
    %mul3A_37 = arith.constant 65536 : i32
    %mul3A_38 = arith.muli %arg1, %mul3A_37 : i32
    %add3A_39 = arith.constant 8192 : i32
    %add3A_40 = arith.addi %mul3A_38, %add3A_39 : i32
    %dma_start3A_41 = tpu.memref_slice %arg6[%add3A_40] : memref<1048576xf32, #tpu.memory_space<hbm>> -> memref<4096xf32, #tpu.memory_space<hbm>>
    %dma_start3A_42 = tpu.memref_slice %arg6[%add3A_40] : memref<1048576xf32, #tpu.memory_space<hbm>> -> memref<4096xf32, #tpu.memory_space<hbm>>
    tpu.enqueue_dma source(%dma_start3A_42 : memref<4096xf32, #tpu.memory_space<hbm>>) target(%arg12 : memref<4096xf32, #tpu.memory_space<vmem>>) target_semaphore(%arg29 : memref<!tpu.dma_semaphore, #tpu.memory_space<semaphore_mem>>)
    %mul3A_43 = arith.constant 65536 : i32
    %mul3A_44 = arith.muli %arg1, %mul3A_43 : i32
    %add3A_45 = arith.constant 12288 : i32
    %add3A_46 = arith.addi %mul3A_44, %add3A_45 : i32
    %dma_start3A_47 = tpu.memref_slice %arg6[%add3A_46] : memref<1048576xf32, #tpu.memory_space<hbm>> -> memref<4096xf32, #tpu.memory_space<hbm>>
    %dma_start3A_48 = tpu.memref_slice %arg6[%add3A_46] : memref<1048576xf32, #tpu.memory_space<hbm>> -> memref<4096xf32, #tpu.memory_space<hbm>>
    tpu.enqueue_dma source(%dma_start3A_48 : memref<4096xf32, #tpu.memory_space<hbm>>) target(%arg18 : memref<4096xf32, #tpu.memory_space<vmem>>) target_semaphore(%arg29 : memref<!tpu.dma_semaphore, #tpu.memory_space<semaphore_mem>>)
    %mul3A_49 = arith.constant 65536 : i32
    %mul3A_50 = arith.muli %arg1, %mul3A_49 : i32
    %add3A_51 = arith.constant 0 : i32
    %add3A_52 = arith.addi %mul3A_50, %add3A_51 : i32
    %dma_wait3A = arith.constant 0 : i32
    %dma_wait3A_53 = tpu.memref_slice %arg6[%dma_wait3A] : memref<1048576xf32, #tpu.memory_space<hbm>> -> memref<4096xf32, #tpu.memory_space<hbm>>
    %dma_wait3A_54 = arith.constant 0 : i32
    %dma_wait3A_55 = tpu.memref_slice %arg6[%dma_wait3A_54] : memref<1048576xf32, #tpu.memory_space<hbm>> -> memref<4096xf32, #tpu.memory_space<hbm>>
    tpu.wait_dma2 semaphore(%arg29 : memref<!tpu.dma_semaphore, #tpu.memory_space<semaphore_mem>>) src(%dma_wait3A_55 : memref<4096xf32, #tpu.memory_space<hbm>>) dst(%arg13 : memref<4096xf32, #tpu.memory_space<vmem>>)
    %dma_start3A_56 = tpu.memref_slice %arg20[%add3A_52] : memref<1048576xf32, #tpu.memory_space<vmem_shared>> -> memref<4096xf32, #tpu.memory_space<vmem_shared>>
    %dma_start3A_57 = tpu.memref_slice %arg20[%add3A_52] : memref<1048576xf32, #tpu.memory_space<vmem_shared>> -> memref<4096xf32, #tpu.memory_space<vmem_shared>>
    tpu.enqueue_dma source(%arg13 : memref<4096xf32, #tpu.memory_space<vmem>>) target(%dma_start3A_57 : memref<4096xf32, #tpu.memory_space<vmem_shared>>) target_semaphore(%arg30 : memref<!tpu.dma_semaphore, #tpu.memory_space<semaphore_mem>>)
    %dma_wait3A_58 = arith.constant 0 : i32
    %dma_wait3A_59 = tpu.memref_slice %arg20[%dma_wait3A_58] : memref<1048576xf32, #tpu.memory_space<vmem_shared>> -> memref<4096xf32, #tpu.memory_space<vmem_shared>>
    %dma_wait3A_60 = arith.constant 0 : i32
    %dma_wait3A_61 = tpu.memref_slice %arg20[%dma_wait3A_60] : memref<1048576xf32, #tpu.memory_space<vmem_shared>> -> memref<4096xf32, #tpu.memory_space<vmem_shared>>
    tpu.wait_dma2 semaphore(%arg30 : memref<!tpu.dma_semaphore, #tpu.memory_space<semaphore_mem>>) src(%arg13 : memref<4096xf32, #tpu.memory_space<vmem>>) dst(%dma_wait3A_61 : memref<4096xf32, #tpu.memory_space<vmem_shared>>)
    %mul3A_62 = arith.constant 65536 : i32
    %mul3A_63 = arith.muli %arg1, %mul3A_62 : i32
    %add3A_64 = arith.constant 16384 : i32
    %add3A_65 = arith.addi %mul3A_63, %add3A_64 : i32
    %dma_start3A_66 = tpu.memref_slice %arg6[%add3A_65] : memref<1048576xf32, #tpu.memory_space<hbm>> -> memref<4096xf32, #tpu.memory_space<hbm>>
    %dma_start3A_67 = tpu.memref_slice %arg6[%add3A_65] : memref<1048576xf32, #tpu.memory_space<hbm>> -> memref<4096xf32, #tpu.memory_space<hbm>>
    tpu.enqueue_dma source(%dma_start3A_67 : memref<4096xf32, #tpu.memory_space<hbm>>) target(%arg13 : memref<4096xf32, #tpu.memory_space<vmem>>) target_semaphore(%arg29 : memref<!tpu.dma_semaphore, #tpu.memory_space<semaphore_mem>>)
    %mul3A_68 = arith.constant 65536 : i32
    %mul3A_69 = arith.muli %arg1, %mul3A_68 : i32
    %add3A_70 = arith.constant 4096 : i32
    %add3A_71 = arith.addi %mul3A_69, %add3A_70 : i32
    %dma_wait3A_72 = arith.constant 0 : i32
    %dma_wait3A_73 = tpu.memref_slice %arg6[%dma_wait3A_72] : memref<1048576xf32, #tpu.memory_space<hbm>> -> memref<4096xf32, #tpu.memory_space<hbm>>
    %dma_wait3A_74 = arith.constant 0 : i32
    %dma_wait3A_75 = tpu.memref_slice %arg6[%dma_wait3A_74] : memref<1048576xf32, #tpu.memory_space<hbm>> -> memref<4096xf32, #tpu.memory_space<hbm>>
    tpu.wait_dma2 semaphore(%arg29 : memref<!tpu.dma_semaphore, #tpu.memory_space<semaphore_mem>>) src(%dma_wait3A_75 : memref<4096xf32, #tpu.memory_space<hbm>>) dst(%arg19 : memref<4096xf32, #tpu.memory_space<vmem>>)
    %dma_start3A_76 = tpu.memref_slice %arg20[%add3A_71] : memref<1048576xf32, #tpu.memory_space<vmem_shared>> -> memref<4096xf32, #tpu.memory_space<vmem_shared>>
    %dma_start3A_77 = tpu.memref_slice %arg20[%add3A_71] : memref<1048576xf32, #tpu.memory_space<vmem_shared>> -> memref<4096xf32, #tpu.memory_space<vmem_shared>>
    tpu.enqueue_dma source(%arg19 : memref<4096xf32, #tpu.memory_space<vmem>>) target(%dma_start3A_77 : memref<4096xf32, #tpu.memory_space<vmem_shared>>) target_semaphore(%arg30 : memref<!tpu.dma_semaphore, #tpu.memory_space<semaphore_mem>>)
    %dma_wait3A_78 = arith.constant 0 : i32
    %dma_wait3A_79 = tpu.memref_slice %arg20[%dma_wait3A_78] : memref<1048576xf32, #tpu.memory_space<vmem_shared>> -> memref<4096xf32, #tpu.memory_space<vmem_shared>>
    %dma_wait3A_80 = arith.constant 0 : i32
    %dma_wait3A_81 = tpu.memref_slice %arg20[%dma_wait3A_80] : memref<1048576xf32, #tpu.memory_space<vmem_shared>> -> memref<4096xf32, #tpu.memory_space<vmem_shared>>
    tpu.wait_dma2 semaphore(%arg30 : memref<!tpu.dma_semaphore, #tpu.memory_space<semaphore_mem>>) src(%arg13 : memref<4096xf32, #tpu.memory_space<vmem>>) dst(%dma_wait3A_81 : memref<4096xf32, #tpu.memory_space<vmem_shared>>)
    %mul3A_82 = arith.constant 65536 : i32
    %mul3A_83 = arith.muli %arg1, %mul3A_82 : i32
    %add3A_84 = arith.constant 20480 : i32
    %add3A_85 = arith.addi %mul3A_83, %add3A_84 : i32
    %dma_start3A_86 = tpu.memref_slice %arg6[%add3A_85] : memref<1048576xf32, #tpu.memory_space<hbm>> -> memref<4096xf32, #tpu.memory_space<hbm>>
    %dma_start3A_87 = tpu.memref_slice %arg6[%add3A_85] : memref<1048576xf32, #tpu.memory_space<hbm>> -> memref<4096xf32, #tpu.memory_space<hbm>>
    tpu.enqueue_dma source(%dma_start3A_87 : memref<4096xf32, #tpu.memory_space<hbm>>) target(%arg19 : memref<4096xf32, #tpu.memory_space<vmem>>) target_semaphore(%arg29 : memref<!tpu.dma_semaphore, #tpu.memory_space<semaphore_mem>>)
    %mul3A_88 = arith.constant 65536 : i32
    %mul3A_89 = arith.muli %arg1, %mul3A_88 : i32
    %add3A_90 = arith.constant 8192 : i32
    %add3A_91 = arith.addi %mul3A_89, %add3A_90 : i32
    %dma_wait3A_92 = arith.constant 0 : i32
    %dma_wait3A_93 = tpu.memref_slice %arg6[%dma_wait3A_92] : memref<1048576xf32, #tpu.memory_space<hbm>> -> memref<4096xf32, #tpu.memory_space<hbm>>
    %dma_wait3A_94 = arith.constant 0 : i32
    %dma_wait3A_95 = tpu.memref_slice %arg6[%dma_wait3A_94] : memref<1048576xf32, #tpu.memory_space<hbm>> -> memref<4096xf32, #tpu.memory_space<hbm>>
    tpu.wait_dma2 semaphore(%arg29 : memref<!tpu.dma_semaphore, #tpu.memory_space<semaphore_mem>>) src(%dma_wait3A_95 : memref<4096xf32, #tpu.memory_space<hbm>>) dst(%arg12 : memref<4096xf32, #tpu.memory_space<vmem>>)
    %dma_start3A_96 = tpu.memref_slice %arg20[%add3A_91] : memref<1048576xf32, #tpu.memory_space<vmem_shared>> -> memref<4096xf32, #tpu.memory_space<vmem_shared>>
    %dma_start3A_97 = tpu.memref_slice %arg20[%add3A_91] : memref<1048576xf32, #tpu.memory_space<vmem_shared>> -> memref<4096xf32, #tpu.memory_space<vmem_shared>>
    tpu.enqueue_dma source(%arg12 : memref<4096xf32, #tpu.memory_space<vmem>>) target(%dma_start3A_97 : memref<4096xf32, #tpu.memory_space<vmem_shared>>) target_semaphore(%arg30 : memref<!tpu.dma_semaphore, #tpu.memory_space<semaphore_mem>>)
    %dma_wait3A_98 = arith.constant 0 : i32
    %dma_wait3A_99 = tpu.memref_slice %arg20[%dma_wait3A_98] : memref<1048576xf32, #tpu.memory_space<vmem_shared>> -> memref<4096xf32, #tpu.memory_space<vmem_shared>>
    %dma_wait3A_100 = arith.constant 0 : i32
    %dma_wait3A_101 = tpu.memref_slice %arg20[%dma_wait3A_100] : memref<1048576xf32, #tpu.memory_space<vmem_shared>> -> memref<4096xf32, #tpu.memory_space<vmem_shared>>
    tpu.wait_dma2 semaphore(%arg30 : memref<!tpu.dma_semaphore, #tpu.memory_space<semaphore_mem>>) src(%arg13 : memref<4096xf32, #tpu.memory_space<vmem>>) dst(%dma_wait3A_101 : memref<4096xf32, #tpu.memory_space<vmem_shared>>)
    %mul3A_102 = arith.constant 65536 : i32
    %mul3A_103 = arith.muli %arg1, %mul3A_102 : i32
    %add3A_104 = arith.constant 24576 : i32
    %add3A_105 = arith.addi %mul3A_103, %add3A_104 : i32
    %dma_start3A_106 = tpu.memref_slice %arg6[%add3A_105] : memref<1048576xf32, #tpu.memory_space<hbm>> -> memref<4096xf32, #tpu.memory_space<hbm>>
    %dma_start3A_107 = tpu.memref_slice %arg6[%add3A_105] : memref<1048576xf32, #tpu.memory_space<hbm>> -> memref<4096xf32, #tpu.memory_space<hbm>>
    tpu.enqueue_dma source(%dma_start3A_107 : memref<4096xf32, #tpu.memory_space<hbm>>) target(%arg12 : memref<4096xf32, #tpu.memory_space<vmem>>) target_semaphore(%arg29 : memref<!tpu.dma_semaphore, #tpu.memory_space<semaphore_mem>>)
    %mul3A_108 = arith.constant 65536 : i32
    %mul3A_109 = arith.muli %arg1, %mul3A_108 : i32
    %add3A_110 = arith.constant 12288 : i32
    %add3A_111 = arith.addi %mul3A_109, %add3A_110 : i32
    %dma_wait3A_112 = arith.constant 0 : i32
    %dma_wait3A_113 = tpu.memref_slice %arg6[%dma_wait3A_112] : memref<1048576xf32, #tpu.memory_space<hbm>> -> memref<4096xf32, #tpu.memory_space<hbm>>
    %dma_wait3A_114 = arith.constant 0 : i32
    %dma_wait3A_115 = tpu.memref_slice %arg6[%dma_wait3A_114] : memref<1048576xf32, #tpu.memory_space<hbm>> -> memref<4096xf32, #tpu.memory_space<hbm>>
    tpu.wait_dma2 semaphore(%arg29 : memref<!tpu.dma_semaphore, #tpu.memory_space<semaphore_mem>>) src(%dma_wait3A_115 : memref<4096xf32, #tpu.memory_space<hbm>>) dst(%arg18 : memref<4096xf32, #tpu.memory_space<vmem>>)
    %dma_start3A_116 = tpu.memref_slice %arg20[%add3A_111] : memref<1048576xf32, #tpu.memory_space<vmem_shared>> -> memref<4096xf32, #tpu.memory_space<vmem_shared>>
    %dma_start3A_117 = tpu.memref_slice %arg20[%add3A_111] : memref<1048576xf32, #tpu.memory_space<vmem_shared>> -> memref<4096xf32, #tpu.memory_space<vmem_shared>>
    tpu.enqueue_dma source(%arg18 : memref<4096xf32, #tpu.memory_space<vmem>>) target(%dma_start3A_117 : memref<4096xf32, #tpu.memory_space<vmem_shared>>) target_semaphore(%arg30 : memref<!tpu.dma_semaphore, #tpu.memory_space<semaphore_mem>>)
    %dma_wait3A_118 = arith.constant 0 : i32
    %dma_wait3A_119 = tpu.memref_slice %arg20[%dma_wait3A_118] : memref<1048576xf32, #tpu.memory_space<vmem_shared>> -> memref<4096xf32, #tpu.memory_space<vmem_shared>>
    %dma_wait3A_120 = arith.constant 0 : i32
    %dma_wait3A_121 = tpu.memref_slice %arg20[%dma_wait3A_120] : memref<1048576xf32, #tpu.memory_space<vmem_shared>> -> memref<4096xf32, #tpu.memory_space<vmem_shared>>
    tpu.wait_dma2 semaphore(%arg30 : memref<!tpu.dma_semaphore, #tpu.memory_space<semaphore_mem>>) src(%arg13 : memref<4096xf32, #tpu.memory_space<vmem>>) dst(%dma_wait3A_121 : memref<4096xf32, #tpu.memory_space<vmem_shared>>)
    %mul3A_122 = arith.constant 65536 : i32
    %mul3A_123 = arith.muli %arg1, %mul3A_122 : i32
    %add3A_124 = arith.constant 28672 : i32
    %add3A_125 = arith.addi %mul3A_123, %add3A_124 : i32
    %dma_start3A_126 = tpu.memref_slice %arg6[%add3A_125] : memref<1048576xf32, #tpu.memory_space<hbm>> -> memref<4096xf32, #tpu.memory_space<hbm>>
    %dma_start3A_127 = tpu.memref_slice %arg6[%add3A_125] : memref<1048576xf32, #tpu.memory_space<hbm>> -> memref<4096xf32, #tpu.memory_space<hbm>>
    tpu.enqueue_dma source(%dma_start3A_127 : memref<4096xf32, #tpu.memory_space<hbm>>) target(%arg18 : memref<4096xf32, #tpu.memory_space<vmem>>) target_semaphore(%arg29 : memref<!tpu.dma_semaphore, #tpu.memory_space<semaphore_mem>>)
    %mul3A_128 = arith.constant 65536 : i32
    %mul3A_129 = arith.muli %arg1, %mul3A_128 : i32
    %add3A_130 = arith.constant 16384 : i32
    %add3A_131 = arith.addi %mul3A_129, %add3A_130 : i32
    %dma_wait3A_132 = arith.constant 0 : i32
    %dma_wait3A_133 = tpu.memref_slice %arg6[%dma_wait3A_132] : memref<1048576xf32, #tpu.memory_space<hbm>> -> memref<4096xf32, #tpu.memory_space<hbm>>
    %dma_wait3A_134 = arith.constant 0 : i32
    %dma_wait3A_135 = tpu.memref_slice %arg6[%dma_wait3A_134] : memref<1048576xf32, #tpu.memory_space<hbm>> -> memref<4096xf32, #tpu.memory_space<hbm>>
    tpu.wait_dma2 semaphore(%arg29 : memref<!tpu.dma_semaphore, #tpu.memory_space<semaphore_mem>>) src(%dma_wait3A_135 : memref<4096xf32, #tpu.memory_space<hbm>>) dst(%arg13 : memref<4096xf32, #tpu.memory_space<vmem>>)
    %dma_start3A_136 = tpu.memref_slice %arg20[%add3A_131] : memref<1048576xf32, #tpu.memory_space<vmem_shared>> -> memref<4096xf32, #tpu.memory_space<vmem_shared>>
    %dma_start3A_137 = tpu.memref_slice %arg20[%add3A_131] : memref<1048576xf32, #tpu.memory_space<vmem_shared>> -> memref<4096xf32, #tpu.memory_space<vmem_shared>>
    tpu.enqueue_dma source(%arg13 : memref<4096xf32, #tpu.memory_space<vmem>>) target(%dma_start3A_137 : memref<4096xf32, #tpu.memory_space<vmem_shared>>) target_semaphore(%arg30 : memref<!tpu.dma_semaphore, #tpu.memory_space<semaphore_mem>>)
    %dma_wait3A_138 = arith.constant 0 : i32
    %dma_wait3A_139 = tpu.memref_slice %arg20[%dma_wait3A_138] : memref<1048576xf32, #tpu.memory_space<vmem_shared>> -> memref<4096xf32, #tpu.memory_space<vmem_shared>>
    %dma_wait3A_140 = arith.constant 0 : i32
    %dma_wait3A_141 = tpu.memref_slice %arg20[%dma_wait3A_140] : memref<1048576xf32, #tpu.memory_space<vmem_shared>> -> memref<4096xf32, #tpu.memory_space<vmem_shared>>
    tpu.wait_dma2 semaphore(%arg30 : memref<!tpu.dma_semaphore, #tpu.memory_space<semaphore_mem>>) src(%arg13 : memref<4096xf32, #tpu.memory_space<vmem>>) dst(%dma_wait3A_141 : memref<4096xf32, #tpu.memory_space<vmem_shared>>)
    %mul3A_142 = arith.constant 65536 : i32
    %mul3A_143 = arith.muli %arg1, %mul3A_142 : i32
    %add3A_144 = arith.constant 32768 : i32
    %add3A_145 = arith.addi %mul3A_143, %add3A_144 : i32
    %dma_start3A_146 = tpu.memref_slice %arg6[%add3A_145] : memref<1048576xf32, #tpu.memory_space<hbm>> -> memref<4096xf32, #tpu.memory_space<hbm>>
    %dma_start3A_147 = tpu.memref_slice %arg6[%add3A_145] : memref<1048576xf32, #tpu.memory_space<hbm>> -> memref<4096xf32, #tpu.memory_space<hbm>>
    tpu.enqueue_dma source(%dma_start3A_147 : memref<4096xf32, #tpu.memory_space<hbm>>) target(%arg13 : memref<4096xf32, #tpu.memory_space<vmem>>) target_semaphore(%arg29 : memref<!tpu.dma_semaphore, #tpu.memory_space<semaphore_mem>>)
    %mul3A_148 = arith.constant 65536 : i32
    %mul3A_149 = arith.muli %arg1, %mul3A_148 : i32
    %add3A_150 = arith.constant 20480 : i32
    %add3A_151 = arith.addi %mul3A_149, %add3A_150 : i32
    %dma_wait3A_152 = arith.constant 0 : i32
    %dma_wait3A_153 = tpu.memref_slice %arg6[%dma_wait3A_152] : memref<1048576xf32, #tpu.memory_space<hbm>> -> memref<4096xf32, #tpu.memory_space<hbm>>
    %dma_wait3A_154 = arith.constant 0 : i32
    %dma_wait3A_155 = tpu.memref_slice %arg6[%dma_wait3A_154] : memref<1048576xf32, #tpu.memory_space<hbm>> -> memref<4096xf32, #tpu.memory_space<hbm>>
    tpu.wait_dma2 semaphore(%arg29 : memref<!tpu.dma_semaphore, #tpu.memory_space<semaphore_mem>>) src(%dma_wait3A_155 : memref<4096xf32, #tpu.memory_space<hbm>>) dst(%arg19 : memref<4096xf32, #tpu.memory_space<vmem>>)
    %dma_start3A_156 = tpu.memref_slice %arg20[%add3A_151] : memref<1048576xf32, #tpu.memory_space<vmem_shared>> -> memref<4096xf32, #tpu.memory_space<vmem_shared>>
    %dma_start3A_157 = tpu.memref_slice %arg20[%add3A_151] : memref<1048576xf32, #tpu.memory_space<vmem_shared>> -> memref<4096xf32, #tpu.memory_space<vmem_shared>>
    tpu.enqueue_dma source(%arg19 : memref<4096xf32, #tpu.memory_space<vmem>>) target(%dma_start3A_157 : memref<4096xf32, #tpu.memory_space<vmem_shared>>) target_semaphore(%arg30 : memref<!tpu.dma_semaphore, #tpu.memory_space<semaphore_mem>>)
    %dma_wait3A_158 = arith.constant 0 : i32
    %dma_wait3A_159 = tpu.memref_slice %arg20[%dma_wait3A_158] : memref<1048576xf32, #tpu.memory_space<vmem_shared>> -> memref<4096xf32, #tpu.memory_space<vmem_shared>>
    %dma_wait3A_160 = arith.constant 0 : i32
    %dma_wait3A_161 = tpu.memref_slice %arg20[%dma_wait3A_160] : memref<1048576xf32, #tpu.memory_space<vmem_shared>> -> memref<4096xf32, #tpu.memory_space<vmem_shared>>
    tpu.wait_dma2 semaphore(%arg30 : memref<!tpu.dma_semaphore, #tpu.memory_space<semaphore_mem>>) src(%arg13 : memref<4096xf32, #tpu.memory_space<vmem>>) dst(%dma_wait3A_161 : memref<4096xf32, #tpu.memory_space<vmem_shared>>)
    %mul3A_162 = arith.constant 65536 : i32
    %mul3A_163 = arith.muli %arg1, %mul3A_162 : i32
    %add3A_164 = arith.constant 36864 : i32
    %add3A_165 = arith.addi %mul3A_163, %add3A_164 : i32
    %dma_start3A_166 = tpu.memref_slice %arg6[%add3A_165] : memref<1048576xf32, #tpu.memory_space<hbm>> -> memref<4096xf32, #tpu.memory_space<hbm>>
    %dma_start3A_167 = tpu.memref_slice %arg6[%add3A_165] : memref<1048576xf32, #tpu.memory_space<hbm>> -> memref<4096xf32, #tpu.memory_space<hbm>>
    tpu.enqueue_dma source(%dma_start3A_167 : memref<4096xf32, #tpu.memory_space<hbm>>) target(%arg19 : memref<4096xf32, #tpu.memory_space<vmem>>) target_semaphore(%arg29 : memref<!tpu.dma_semaphore, #tpu.memory_space<semaphore_mem>>)
    %mul3A_168 = arith.constant 65536 : i32
    %mul3A_169 = arith.muli %arg1, %mul3A_168 : i32
    %add3A_170 = arith.constant 24576 : i32
    %add3A_171 = arith.addi %mul3A_169, %add3A_170 : i32
    %dma_wait3A_172 = arith.constant 0 : i32
    %dma_wait3A_173 = tpu.memref_slice %arg6[%dma_wait3A_172] : memref<1048576xf32, #tpu.memory_space<hbm>> -> memref<4096xf32, #tpu.memory_space<hbm>>
    %dma_wait3A_174 = arith.constant 0 : i32
    %dma_wait3A_175 = tpu.memref_slice %arg6[%dma_wait3A_174] : memref<1048576xf32, #tpu.memory_space<hbm>> -> memref<4096xf32, #tpu.memory_space<hbm>>
    tpu.wait_dma2 semaphore(%arg29 : memref<!tpu.dma_semaphore, #tpu.memory_space<semaphore_mem>>) src(%dma_wait3A_175 : memref<4096xf32, #tpu.memory_space<hbm>>) dst(%arg12 : memref<4096xf32, #tpu.memory_space<vmem>>)
    %dma_start3A_176 = tpu.memref_slice %arg20[%add3A_171] : memref<1048576xf32, #tpu.memory_space<vmem_shared>> -> memref<4096xf32, #tpu.memory_space<vmem_shared>>
    %dma_start3A_177 = tpu.memref_slice %arg20[%add3A_171] : memref<1048576xf32, #tpu.memory_space<vmem_shared>> -> memref<4096xf32, #tpu.memory_space<vmem_shared>>
    tpu.enqueue_dma source(%arg12 : memref<4096xf32, #tpu.memory_space<vmem>>) target(%dma_start3A_177 : memref<4096xf32, #tpu.memory_space<vmem_shared>>) target_semaphore(%arg30 : memref<!tpu.dma_semaphore, #tpu.memory_space<semaphore_mem>>)
    %dma_wait3A_178 = arith.constant 0 : i32
    %dma_wait3A_179 = tpu.memref_slice %arg20[%dma_wait3A_178] : memref<1048576xf32, #tpu.memory_space<vmem_shared>> -> memref<4096xf32, #tpu.memory_space<vmem_shared>>
    %dma_wait3A_180 = arith.constant 0 : i32
    %dma_wait3A_181 = tpu.memref_slice %arg20[%dma_wait3A_180] : memref<1048576xf32, #tpu.memory_space<vmem_shared>> -> memref<4096xf32, #tpu.memory_space<vmem_shared>>
    tpu.wait_dma2 semaphore(%arg30 : memref<!tpu.dma_semaphore, #tpu.memory_space<semaphore_mem>>) src(%arg13 : memref<4096xf32, #tpu.memory_space<vmem>>) dst(%dma_wait3A_181 : memref<4096xf32, #tpu.memory_space<vmem_shared>>)
    %mul3A_182 = arith.constant 65536 : i32
    %mul3A_183 = arith.muli %arg1, %mul3A_182 : i32
    %add3A_184 = arith.constant 40960 : i32
    %add3A_185 = arith.addi %mul3A_183, %add3A_184 : i32
    %dma_start3A_186 = tpu.memref_slice %arg6[%add3A_185] : memref<1048576xf32, #tpu.memory_space<hbm>> -> memref<4096xf32, #tpu.memory_space<hbm>>
    %dma_start3A_187 = tpu.memref_slice %arg6[%add3A_185] : memref<1048576xf32, #tpu.memory_space<hbm>> -> memref<4096xf32, #tpu.memory_space<hbm>>
    tpu.enqueue_dma source(%dma_start3A_187 : memref<4096xf32, #tpu.memory_space<hbm>>) target(%arg12 : memref<4096xf32, #tpu.memory_space<vmem>>) target_semaphore(%arg29 : memref<!tpu.dma_semaphore, #tpu.memory_space<semaphore_mem>>)
    %mul3A_188 = arith.constant 65536 : i32
    %mul3A_189 = arith.muli %arg1, %mul3A_188 : i32
    %add3A_190 = arith.constant 28672 : i32
    %add3A_191 = arith.addi %mul3A_189, %add3A_190 : i32
    %dma_wait3A_192 = arith.constant 0 : i32
    %dma_wait3A_193 = tpu.memref_slice %arg6[%dma_wait3A_192] : memref<1048576xf32, #tpu.memory_space<hbm>> -> memref<4096xf32, #tpu.memory_space<hbm>>
    %dma_wait3A_194 = arith.constant 0 : i32
    %dma_wait3A_195 = tpu.memref_slice %arg6[%dma_wait3A_194] : memref<1048576xf32, #tpu.memory_space<hbm>> -> memref<4096xf32, #tpu.memory_space<hbm>>
    tpu.wait_dma2 semaphore(%arg29 : memref<!tpu.dma_semaphore, #tpu.memory_space<semaphore_mem>>) src(%dma_wait3A_195 : memref<4096xf32, #tpu.memory_space<hbm>>) dst(%arg18 : memref<4096xf32, #tpu.memory_space<vmem>>)
    %dma_start3A_196 = tpu.memref_slice %arg20[%add3A_191] : memref<1048576xf32, #tpu.memory_space<vmem_shared>> -> memref<4096xf32, #tpu.memory_space<vmem_shared>>
    %dma_start3A_197 = tpu.memref_slice %arg20[%add3A_191] : memref<1048576xf32, #tpu.memory_space<vmem_shared>> -> memref<4096xf32, #tpu.memory_space<vmem_shared>>
    tpu.enqueue_dma source(%arg18 : memref<4096xf32, #tpu.memory_space<vmem>>) target(%dma_start3A_197 : memref<4096xf32, #tpu.memory_space<vmem_shared>>) target_semaphore(%arg30 : memref<!tpu.dma_semaphore, #tpu.memory_space<semaphore_mem>>)
    %dma_wait3A_198 = arith.constant 0 : i32
    %dma_wait3A_199 = tpu.memref_slice %arg20[%dma_wait3A_198] : memref<1048576xf32, #tpu.memory_space<vmem_shared>> -> memref<4096xf32, #tpu.memory_space<vmem_shared>>
    %dma_wait3A_200 = arith.constant 0 : i32
    %dma_wait3A_201 = tpu.memref_slice %arg20[%dma_wait3A_200] : memref<1048576xf32, #tpu.memory_space<vmem_shared>> -> memref<4096xf32, #tpu.memory_space<vmem_shared>>
    tpu.wait_dma2 semaphore(%arg30 : memref<!tpu.dma_semaphore, #tpu.memory_space<semaphore_mem>>) src(%arg13 : memref<4096xf32, #tpu.memory_space<vmem>>) dst(%dma_wait3A_201 : memref<4096xf32, #tpu.memory_space<vmem_shared>>)
    %mul3A_202 = arith.constant 65536 : i32
    %mul3A_203 = arith.muli %arg1, %mul3A_202 : i32
    %add3A_204 = arith.constant 45056 : i32
    %add3A_205 = arith.addi %mul3A_203, %add3A_204 : i32
    %dma_start3A_206 = tpu.memref_slice %arg6[%add3A_205] : memref<1048576xf32, #tpu.memory_space<hbm>> -> memref<4096xf32, #tpu.memory_space<hbm>>
    %dma_start3A_207 = tpu.memref_slice %arg6[%add3A_205] : memref<1048576xf32, #tpu.memory_space<hbm>> -> memref<4096xf32, #tpu.memory_space<hbm>>
    tpu.enqueue_dma source(%dma_start3A_207 : memref<4096xf32, #tpu.memory_space<hbm>>) target(%arg18 : memref<4096xf32, #tpu.memory_space<vmem>>) target_semaphore(%arg29 : memref<!tpu.dma_semaphore, #tpu.memory_space<semaphore_mem>>)
    %mul3A_208 = arith.constant 65536 : i32
    %mul3A_209 = arith.muli %arg1, %mul3A_208 : i32
    %add3A_210 = arith.constant 32768 : i32
    %add3A_211 = arith.addi %mul3A_209, %add3A_210 : i32
    %dma_wait3A_212 = arith.constant 0 : i32
    %dma_wait3A_213 = tpu.memref_slice %arg6[%dma_wait3A_212] : memref<1048576xf32, #tpu.memory_space<hbm>> -> memref<4096xf32, #tpu.memory_space<hbm>>
    %dma_wait3A_214 = arith.constant 0 : i32
    %dma_wait3A_215 = tpu.memref_slice %arg6[%dma_wait3A_214] : memref<1048576xf32, #tpu.memory_space<hbm>> -> memref<4096xf32, #tpu.memory_space<hbm>>
    tpu.wait_dma2 semaphore(%arg29 : memref<!tpu.dma_semaphore, #tpu.memory_space<semaphore_mem>>) src(%dma_wait3A_215 : memref<4096xf32, #tpu.memory_space<hbm>>) dst(%arg13 : memref<4096xf32, #tpu.memory_space<vmem>>)
    %dma_start3A_216 = tpu.memref_slice %arg20[%add3A_211] : memref<1048576xf32, #tpu.memory_space<vmem_shared>> -> memref<4096xf32, #tpu.memory_space<vmem_shared>>
    %dma_start3A_217 = tpu.memref_slice %arg20[%add3A_211] : memref<1048576xf32, #tpu.memory_space<vmem_shared>> -> memref<4096xf32, #tpu.memory_space<vmem_shared>>
    tpu.enqueue_dma source(%arg13 : memref<4096xf32, #tpu.memory_space<vmem>>) target(%dma_start3A_217 : memref<4096xf32, #tpu.memory_space<vmem_shared>>) target_semaphore(%arg30 : memref<!tpu.dma_semaphore, #tpu.memory_space<semaphore_mem>>)
    %dma_wait3A_218 = arith.constant 0 : i32
    %dma_wait3A_219 = tpu.memref_slice %arg20[%dma_wait3A_218] : memref<1048576xf32, #tpu.memory_space<vmem_shared>> -> memref<4096xf32, #tpu.memory_space<vmem_shared>>
    %dma_wait3A_220 = arith.constant 0 : i32
    %dma_wait3A_221 = tpu.memref_slice %arg20[%dma_wait3A_220] : memref<1048576xf32, #tpu.memory_space<vmem_shared>> -> memref<4096xf32, #tpu.memory_space<vmem_shared>>
    tpu.wait_dma2 semaphore(%arg30 : memref<!tpu.dma_semaphore, #tpu.memory_space<semaphore_mem>>) src(%arg13 : memref<4096xf32, #tpu.memory_space<vmem>>) dst(%dma_wait3A_221 : memref<4096xf32, #tpu.memory_space<vmem_shared>>)
    %mul3A_222 = arith.constant 65536 : i32
    %mul3A_223 = arith.muli %arg1, %mul3A_222 : i32
    %add3A_224 = arith.constant 49152 : i32
    %add3A_225 = arith.addi %mul3A_223, %add3A_224 : i32
    %dma_start3A_226 = tpu.memref_slice %arg6[%add3A_225] : memref<1048576xf32, #tpu.memory_space<hbm>> -> memref<4096xf32, #tpu.memory_space<hbm>>
    %dma_start3A_227 = tpu.memref_slice %arg6[%add3A_225] : memref<1048576xf32, #tpu.memory_space<hbm>> -> memref<4096xf32, #tpu.memory_space<hbm>>
    tpu.enqueue_dma source(%dma_start3A_227 : memref<4096xf32, #tpu.memory_space<hbm>>) target(%arg13 : memref<4096xf32, #tpu.memory_space<vmem>>) target_semaphore(%arg29 : memref<!tpu.dma_semaphore, #tpu.memory_space<semaphore_mem>>)
    %mul3A_228 = arith.constant 65536 : i32
    %mul3A_229 = arith.muli %arg1, %mul3A_228 : i32
    %add3A_230 = arith.constant 36864 : i32
    %add3A_231 = arith.addi %mul3A_229, %add3A_230 : i32
    %dma_wait3A_232 = arith.constant 0 : i32
    %dma_wait3A_233 = tpu.memref_slice %arg6[%dma_wait3A_232] : memref<1048576xf32, #tpu.memory_space<hbm>> -> memref<4096xf32, #tpu.memory_space<hbm>>
    %dma_wait3A_234 = arith.constant 0 : i32
    %dma_wait3A_235 = tpu.memref_slice %arg6[%dma_wait3A_234] : memref<1048576xf32, #tpu.memory_space<hbm>> -> memref<4096xf32, #tpu.memory_space<hbm>>
    tpu.wait_dma2 semaphore(%arg29 : memref<!tpu.dma_semaphore, #tpu.memory_space<semaphore_mem>>) src(%dma_wait3A_235 : memref<4096xf32, #tpu.memory_space<hbm>>) dst(%arg19 : memref<4096xf32, #tpu.memory_space<vmem>>)
    %dma_start3A_236 = tpu.memref_slice %arg20[%add3A_231] : memref<1048576xf32, #tpu.memory_space<vmem_shared>> -> memref<4096xf32, #tpu.memory_space<vmem_shared>>
    %dma_start3A_237 = tpu.memref_slice %arg20[%add3A_231] : memref<1048576xf32, #tpu.memory_space<vmem_shared>> -> memref<4096xf32, #tpu.memory_space<vmem_shared>>
    tpu.enqueue_dma source(%arg19 : memref<4096xf32, #tpu.memory_space<vmem>>) target(%dma_start3A_237 : memref<4096xf32, #tpu.memory_space<vmem_shared>>) target_semaphore(%arg30 : memref<!tpu.dma_semaphore, #tpu.memory_space<semaphore_mem>>)
    %dma_wait3A_238 = arith.constant 0 : i32
    %dma_wait3A_239 = tpu.memref_slice %arg20[%dma_wait3A_238] : memref<1048576xf32, #tpu.memory_space<vmem_shared>> -> memref<4096xf32, #tpu.memory_space<vmem_shared>>
    %dma_wait3A_240 = arith.constant 0 : i32
    %dma_wait3A_241 = tpu.memref_slice %arg20[%dma_wait3A_240] : memref<1048576xf32, #tpu.memory_space<vmem_shared>> -> memref<4096xf32, #tpu.memory_space<vmem_shared>>
    tpu.wait_dma2 semaphore(%arg30 : memref<!tpu.dma_semaphore, #tpu.memory_space<semaphore_mem>>) src(%arg13 : memref<4096xf32, #tpu.memory_space<vmem>>) dst(%dma_wait3A_241 : memref<4096xf32, #tpu.memory_space<vmem_shared>>)
    %mul3A_242 = arith.constant 65536 : i32
    %mul3A_243 = arith.muli %arg1, %mul3A_242 : i32
    %add3A_244 = arith.constant 53248 : i32
    %add3A_245 = arith.addi %mul3A_243, %add3A_244 : i32
    %dma_start3A_246 = tpu.memref_slice %arg6[%add3A_245] : memref<1048576xf32, #tpu.memory_space<hbm>> -> memref<4096xf32, #tpu.memory_space<hbm>>
    %dma_start3A_247 = tpu.memref_slice %arg6[%add3A_245] : memref<1048576xf32, #tpu.memory_space<hbm>> -> memref<4096xf32, #tpu.memory_space<hbm>>
    tpu.enqueue_dma source(%dma_start3A_247 : memref<4096xf32, #tpu.memory_space<hbm>>) target(%arg19 : memref<4096xf32, #tpu.memory_space<vmem>>) target_semaphore(%arg29 : memref<!tpu.dma_semaphore, #tpu.memory_space<semaphore_mem>>)
    %mul3A_248 = arith.constant 65536 : i32
    %mul3A_249 = arith.muli %arg1, %mul3A_248 : i32
    %add3A_250 = arith.constant 40960 : i32
    %add3A_251 = arith.addi %mul3A_249, %add3A_250 : i32
    %dma_wait3A_252 = arith.constant 0 : i32
    %dma_wait3A_253 = tpu.memref_slice %arg6[%dma_wait3A_252] : memref<1048576xf32, #tpu.memory_space<hbm>> -> memref<4096xf32, #tpu.memory_space<hbm>>
    %dma_wait3A_254 = arith.constant 0 : i32
    %dma_wait3A_255 = tpu.memref_slice %arg6[%dma_wait3A_254] : memref<1048576xf32, #tpu.memory_space<hbm>> -> memref<4096xf32, #tpu.memory_space<hbm>>
    tpu.wait_dma2 semaphore(%arg29 : memref<!tpu.dma_semaphore, #tpu.memory_space<semaphore_mem>>) src(%dma_wait3A_255 : memref<4096xf32, #tpu.memory_space<hbm>>) dst(%arg12 : memref<4096xf32, #tpu.memory_space<vmem>>)
    %dma_start3A_256 = tpu.memref_slice %arg20[%add3A_251] : memref<1048576xf32, #tpu.memory_space<vmem_shared>> -> memref<4096xf32, #tpu.memory_space<vmem_shared>>
    %dma_start3A_257 = tpu.memref_slice %arg20[%add3A_251] : memref<1048576xf32, #tpu.memory_space<vmem_shared>> -> memref<4096xf32, #tpu.memory_space<vmem_shared>>
    tpu.enqueue_dma source(%arg12 : memref<4096xf32, #tpu.memory_space<vmem>>) target(%dma_start3A_257 : memref<4096xf32, #tpu.memory_space<vmem_shared>>) target_semaphore(%arg30 : memref<!tpu.dma_semaphore, #tpu.memory_space<semaphore_mem>>)
    %dma_wait3A_258 = arith.constant 0 : i32
    %dma_wait3A_259 = tpu.memref_slice %arg20[%dma_wait3A_258] : memref<1048576xf32, #tpu.memory_space<vmem_shared>> -> memref<4096xf32, #tpu.memory_space<vmem_shared>>
    %dma_wait3A_260 = arith.constant 0 : i32
    %dma_wait3A_261 = tpu.memref_slice %arg20[%dma_wait3A_260] : memref<1048576xf32, #tpu.memory_space<vmem_shared>> -> memref<4096xf32, #tpu.memory_space<vmem_shared>>
    tpu.wait_dma2 semaphore(%arg30 : memref<!tpu.dma_semaphore, #tpu.memory_space<semaphore_mem>>) src(%arg13 : memref<4096xf32, #tpu.memory_space<vmem>>) dst(%dma_wait3A_261 : memref<4096xf32, #tpu.memory_space<vmem_shared>>)
    %mul3A_262 = arith.constant 65536 : i32
    %mul3A_263 = arith.muli %arg1, %mul3A_262 : i32
    %add3A_264 = arith.constant 57344 : i32
    %add3A_265 = arith.addi %mul3A_263, %add3A_264 : i32
    %dma_start3A_266 = tpu.memref_slice %arg6[%add3A_265] : memref<1048576xf32, #tpu.memory_space<hbm>> -> memref<4096xf32, #tpu.memory_space<hbm>>
    %dma_start3A_267 = tpu.memref_slice %arg6[%add3A_265] : memref<1048576xf32, #tpu.memory_space<hbm>> -> memref<4096xf32, #tpu.memory_space<hbm>>
    tpu.enqueue_dma source(%dma_start3A_267 : memref<4096xf32, #tpu.memory_space<hbm>>) target(%arg12 : memref<4096xf32, #tpu.memory_space<vmem>>) target_semaphore(%arg29 : memref<!tpu.dma_semaphore, #tpu.memory_space<semaphore_mem>>)
    %mul3A_268 = arith.constant 65536 : i32
    %mul3A_269 = arith.muli %arg1, %mul3A_268 : i32
    %add3A_270 = arith.constant 45056 : i32
    %add3A_271 = arith.addi %mul3A_269, %add3A_270 : i32
    %dma_wait3A_272 = arith.constant 0 : i32
    %dma_wait3A_273 = tpu.memref_slice %arg6[%dma_wait3A_272] : memref<1048576xf32, #tpu.memory_space<hbm>> -> memref<4096xf32, #tpu.memory_space<hbm>>
    %dma_wait3A_274 = arith.constant 0 : i32
    %dma_wait3A_275 = tpu.memref_slice %arg6[%dma_wait3A_274] : memref<1048576xf32, #tpu.memory_space<hbm>> -> memref<4096xf32, #tpu.memory_space<hbm>>
    tpu.wait_dma2 semaphore(%arg29 : memref<!tpu.dma_semaphore, #tpu.memory_space<semaphore_mem>>) src(%dma_wait3A_275 : memref<4096xf32, #tpu.memory_space<hbm>>) dst(%arg18 : memref<4096xf32, #tpu.memory_space<vmem>>)
    %dma_start3A_276 = tpu.memref_slice %arg20[%add3A_271] : memref<1048576xf32, #tpu.memory_space<vmem_shared>> -> memref<4096xf32, #tpu.memory_space<vmem_shared>>
    %dma_start3A_277 = tpu.memref_slice %arg20[%add3A_271] : memref<1048576xf32, #tpu.memory_space<vmem_shared>> -> memref<4096xf32, #tpu.memory_space<vmem_shared>>
    tpu.enqueue_dma source(%arg18 : memref<4096xf32, #tpu.memory_space<vmem>>) target(%dma_start3A_277 : memref<4096xf32, #tpu.memory_space<vmem_shared>>) target_semaphore(%arg30 : memref<!tpu.dma_semaphore, #tpu.memory_space<semaphore_mem>>)
    %dma_wait3A_278 = arith.constant 0 : i32
    %dma_wait3A_279 = tpu.memref_slice %arg20[%dma_wait3A_278] : memref<1048576xf32, #tpu.memory_space<vmem_shared>> -> memref<4096xf32, #tpu.memory_space<vmem_shared>>
    %dma_wait3A_280 = arith.constant 0 : i32
    %dma_wait3A_281 = tpu.memref_slice %arg20[%dma_wait3A_280] : memref<1048576xf32, #tpu.memory_space<vmem_shared>> -> memref<4096xf32, #tpu.memory_space<vmem_shared>>
    tpu.wait_dma2 semaphore(%arg30 : memref<!tpu.dma_semaphore, #tpu.memory_space<semaphore_mem>>) src(%arg13 : memref<4096xf32, #tpu.memory_space<vmem>>) dst(%dma_wait3A_281 : memref<4096xf32, #tpu.memory_space<vmem_shared>>)
    %mul3A_282 = arith.constant 65536 : i32
    %mul3A_283 = arith.muli %arg1, %mul3A_282 : i32
    %add3A_284 = arith.constant 61440 : i32
    %add3A_285 = arith.addi %mul3A_283, %add3A_284 : i32
    %dma_start3A_286 = tpu.memref_slice %arg6[%add3A_285] : memref<1048576xf32, #tpu.memory_space<hbm>> -> memref<4096xf32, #tpu.memory_space<hbm>>
    %dma_start3A_287 = tpu.memref_slice %arg6[%add3A_285] : memref<1048576xf32, #tpu.memory_space<hbm>> -> memref<4096xf32, #tpu.memory_space<hbm>>
    tpu.enqueue_dma source(%dma_start3A_287 : memref<4096xf32, #tpu.memory_space<hbm>>) target(%arg18 : memref<4096xf32, #tpu.memory_space<vmem>>) target_semaphore(%arg29 : memref<!tpu.dma_semaphore, #tpu.memory_space<semaphore_mem>>)
    %mul3A_288 = arith.constant 65536 : i32
    %mul3A_289 = arith.muli %arg1, %mul3A_288 : i32
    %add3A_290 = arith.constant 49152 : i32
    %add3A_291 = arith.addi %mul3A_289, %add3A_290 : i32
    %dma_wait3A_292 = arith.constant 0 : i32
    %dma_wait3A_293 = tpu.memref_slice %arg6[%dma_wait3A_292] : memref<1048576xf32, #tpu.memory_space<hbm>> -> memref<4096xf32, #tpu.memory_space<hbm>>
    %dma_wait3A_294 = arith.constant 0 : i32
    %dma_wait3A_295 = tpu.memref_slice %arg6[%dma_wait3A_294] : memref<1048576xf32, #tpu.memory_space<hbm>> -> memref<4096xf32, #tpu.memory_space<hbm>>
    tpu.wait_dma2 semaphore(%arg29 : memref<!tpu.dma_semaphore, #tpu.memory_space<semaphore_mem>>) src(%dma_wait3A_295 : memref<4096xf32, #tpu.memory_space<hbm>>) dst(%arg13 : memref<4096xf32, #tpu.memory_space<vmem>>)
    %dma_start3A_296 = tpu.memref_slice %arg20[%add3A_291] : memref<1048576xf32, #tpu.memory_space<vmem_shared>> -> memref<4096xf32, #tpu.memory_space<vmem_shared>>
    %dma_start3A_297 = tpu.memref_slice %arg20[%add3A_291] : memref<1048576xf32, #tpu.memory_space<vmem_shared>> -> memref<4096xf32, #tpu.memory_space<vmem_shared>>
    tpu.enqueue_dma source(%arg13 : memref<4096xf32, #tpu.memory_space<vmem>>) target(%dma_start3A_297 : memref<4096xf32, #tpu.memory_space<vmem_shared>>) target_semaphore(%arg30 : memref<!tpu.dma_semaphore, #tpu.memory_space<semaphore_mem>>)
    %mul3A_298 = arith.constant 65536 : i32
    %mul3A_299 = arith.muli %arg1, %mul3A_298 : i32
    %add3A_300 = arith.constant 53248 : i32
    %add3A_301 = arith.addi %mul3A_299, %add3A_300 : i32
    %dma_wait3A_302 = arith.constant 0 : i32
    %dma_wait3A_303 = tpu.memref_slice %arg6[%dma_wait3A_302] : memref<1048576xf32, #tpu.memory_space<hbm>> -> memref<4096xf32, #tpu.memory_space<hbm>>
    %dma_wait3A_304 = arith.constant 0 : i32
    %dma_wait3A_305 = tpu.memref_slice %arg6[%dma_wait3A_304] : memref<1048576xf32, #tpu.memory_space<hbm>> -> memref<4096xf32, #tpu.memory_space<hbm>>
    tpu.wait_dma2 semaphore(%arg29 : memref<!tpu.dma_semaphore, #tpu.memory_space<semaphore_mem>>) src(%dma_wait3A_305 : memref<4096xf32, #tpu.memory_space<hbm>>) dst(%arg19 : memref<4096xf32, #tpu.memory_space<vmem>>)
    %dma_start3A_306 = tpu.memref_slice %arg20[%add3A_301] : memref<1048576xf32, #tpu.memory_space<vmem_shared>> -> memref<4096xf32, #tpu.memory_space<vmem_shared>>
    %dma_start3A_307 = tpu.memref_slice %arg20[%add3A_301] : memref<1048576xf32, #tpu.memory_space<vmem_shared>> -> memref<4096xf32, #tpu.memory_space<vmem_shared>>
    tpu.enqueue_dma source(%arg19 : memref<4096xf32, #tpu.memory_space<vmem>>) target(%dma_start3A_307 : memref<4096xf32, #tpu.memory_space<vmem_shared>>) target_semaphore(%arg30 : memref<!tpu.dma_semaphore, #tpu.memory_space<semaphore_mem>>)
    %mul3A_308 = arith.constant 65536 : i32
    %mul3A_309 = arith.muli %arg1, %mul3A_308 : i32
    %add3A_310 = arith.constant 57344 : i32
    %add3A_311 = arith.addi %mul3A_309, %add3A_310 : i32
    %dma_wait3A_312 = arith.constant 0 : i32
    %dma_wait3A_313 = tpu.memref_slice %arg6[%dma_wait3A_312] : memref<1048576xf32, #tpu.memory_space<hbm>> -> memref<4096xf32, #tpu.memory_space<hbm>>
    %dma_wait3A_314 = arith.constant 0 : i32
    %dma_wait3A_315 = tpu.memref_slice %arg6[%dma_wait3A_314] : memref<1048576xf32, #tpu.memory_space<hbm>> -> memref<4096xf32, #tpu.memory_space<hbm>>
    tpu.wait_dma2 semaphore(%arg29 : memref<!tpu.dma_semaphore, #tpu.memory_space<semaphore_mem>>) src(%dma_wait3A_315 : memref<4096xf32, #tpu.memory_space<hbm>>) dst(%arg12 : memref<4096xf32, #tpu.memory_space<vmem>>)
    %dma_start3A_316 = tpu.memref_slice %arg20[%add3A_311] : memref<1048576xf32, #tpu.memory_space<vmem_shared>> -> memref<4096xf32, #tpu.memory_space<vmem_shared>>
    %dma_start3A_317 = tpu.memref_slice %arg20[%add3A_311] : memref<1048576xf32, #tpu.memory_space<vmem_shared>> -> memref<4096xf32, #tpu.memory_space<vmem_shared>>
    tpu.enqueue_dma source(%arg12 : memref<4096xf32, #tpu.memory_space<vmem>>) target(%dma_start3A_317 : memref<4096xf32, #tpu.memory_space<vmem_shared>>) target_semaphore(%arg30 : memref<!tpu.dma_semaphore, #tpu.memory_space<semaphore_mem>>)
    %mul3A_318 = arith.constant 65536 : i32
    %mul3A_319 = arith.muli %arg1, %mul3A_318 : i32
    %add3A_320 = arith.constant 61440 : i32
    %add3A_321 = arith.addi %mul3A_319, %add3A_320 : i32
    %dma_wait3A_322 = arith.constant 0 : i32
    %dma_wait3A_323 = tpu.memref_slice %arg6[%dma_wait3A_322] : memref<1048576xf32, #tpu.memory_space<hbm>> -> memref<4096xf32, #tpu.memory_space<hbm>>
    %dma_wait3A_324 = arith.constant 0 : i32
    %dma_wait3A_325 = tpu.memref_slice %arg6[%dma_wait3A_324] : memref<1048576xf32, #tpu.memory_space<hbm>> -> memref<4096xf32, #tpu.memory_space<hbm>>
    tpu.wait_dma2 semaphore(%arg29 : memref<!tpu.dma_semaphore, #tpu.memory_space<semaphore_mem>>) src(%dma_wait3A_325 : memref<4096xf32, #tpu.memory_space<hbm>>) dst(%arg18 : memref<4096xf32, #tpu.memory_space<vmem>>)
    %dma_start3A_326 = tpu.memref_slice %arg20[%add3A_321] : memref<1048576xf32, #tpu.memory_space<vmem_shared>> -> memref<4096xf32, #tpu.memory_space<vmem_shared>>
    %dma_start3A_327 = tpu.memref_slice %arg20[%add3A_321] : memref<1048576xf32, #tpu.memory_space<vmem_shared>> -> memref<4096xf32, #tpu.memory_space<vmem_shared>>
    tpu.enqueue_dma source(%arg18 : memref<4096xf32, #tpu.memory_space<vmem>>) target(%dma_start3A_327 : memref<4096xf32, #tpu.memory_space<vmem_shared>>) target_semaphore(%arg30 : memref<!tpu.dma_semaphore, #tpu.memory_space<semaphore_mem>>)
    %dma_wait3A_328 = arith.constant 0 : i32
    %dma_wait3A_329 = tpu.memref_slice %arg20[%dma_wait3A_328] : memref<1048576xf32, #tpu.memory_space<vmem_shared>> -> memref<4096xf32, #tpu.memory_space<vmem_shared>>
    %dma_wait3A_330 = arith.constant 0 : i32
    %dma_wait3A_331 = tpu.memref_slice %arg20[%dma_wait3A_330] : memref<1048576xf32, #tpu.memory_space<vmem_shared>> -> memref<4096xf32, #tpu.memory_space<vmem_shared>>
    tpu.wait_dma2 semaphore(%arg30 : memref<!tpu.dma_semaphore, #tpu.memory_space<semaphore_mem>>) src(%arg13 : memref<4096xf32, #tpu.memory_space<vmem>>) dst(%dma_wait3A_331 : memref<4096xf32, #tpu.memory_space<vmem_shared>>)
    %dma_wait3A_332 = arith.constant 0 : i32
    %dma_wait3A_333 = tpu.memref_slice %arg20[%dma_wait3A_332] : memref<1048576xf32, #tpu.memory_space<vmem_shared>> -> memref<4096xf32, #tpu.memory_space<vmem_shared>>
    %dma_wait3A_334 = arith.constant 0 : i32
    %dma_wait3A_335 = tpu.memref_slice %arg20[%dma_wait3A_334] : memref<1048576xf32, #tpu.memory_space<vmem_shared>> -> memref<4096xf32, #tpu.memory_space<vmem_shared>>
    tpu.wait_dma2 semaphore(%arg30 : memref<!tpu.dma_semaphore, #tpu.memory_space<semaphore_mem>>) src(%arg13 : memref<4096xf32, #tpu.memory_space<vmem>>) dst(%dma_wait3A_335 : memref<4096xf32, #tpu.memory_space<vmem_shared>>)
    %dma_wait3A_336 = arith.constant 0 : i32
    %dma_wait3A_337 = tpu.memref_slice %arg20[%dma_wait3A_336] : memref<1048576xf32, #tpu.memory_space<vmem_shared>> -> memref<4096xf32, #tpu.memory_space<vmem_shared>>
    %dma_wait3A_338 = arith.constant 0 : i32
    %dma_wait3A_339 = tpu.memref_slice %arg20[%dma_wait3A_338] : memref<1048576xf32, #tpu.memory_space<vmem_shared>> -> memref<4096xf32, #tpu.memory_space<vmem_shared>>
    tpu.wait_dma2 semaphore(%arg30 : memref<!tpu.dma_semaphore, #tpu.memory_space<semaphore_mem>>) src(%arg13 : memref<4096xf32, #tpu.memory_space<vmem>>) dst(%dma_wait3A_339 : memref<4096xf32, #tpu.memory_space<vmem_shared>>)
    %dma_wait3A_340 = arith.constant 0 : i32
    %dma_wait3A_341 = tpu.memref_slice %arg20[%dma_wait3A_340] : memref<1048576xf32, #tpu.memory_space<vmem_shared>> -> memref<4096xf32, #tpu.memory_space<vmem_shared>>
    %dma_wait3A_342 = arith.constant 0 : i32
    %dma_wait3A_343 = tpu.memref_slice %arg20[%dma_wait3A_342] : memref<1048576xf32, #tpu.memory_space<vmem_shared>> -> memref<4096xf32, #tpu.memory_space<vmem_shared>>
    tpu.wait_dma2 semaphore(%arg30 : memref<!tpu.dma_semaphore, #tpu.memory_space<semaphore_mem>>) src(%arg13 : memref<4096xf32, #tpu.memory_space<vmem>>) dst(%dma_wait3A_343 : memref<4096xf32, #tpu.memory_space<vmem_shared>>)
    %barrier3A = arith.constant 0 : index
    tpu.barrier barrier_id(%barrier3A)
    %dma_start3A_344 = tpu.memref_slice %arg4[%mul3A_20] : memref<4194304xf32, #tpu.memory_space<hbm>> -> memref<4096xf32, #tpu.memory_space<hbm>>
    %dma_start3A_345 = tpu.memref_slice %arg4[%mul3A_20] : memref<4194304xf32, #tpu.memory_space<hbm>> -> memref<4096xf32, #tpu.memory_space<hbm>>
    tpu.enqueue_dma source(%dma_start3A_345 : memref<4096xf32, #tpu.memory_space<hbm>>) target(%arg12 : memref<4096xf32, #tpu.memory_space<vmem>>) target_semaphore(%arg23 : memref<!tpu.dma_semaphore, #tpu.memory_space<semaphore_mem>>)
    %dma_wait3A_346 = arith.constant 0 : i32
    %dma_wait3A_347 = tpu.memref_slice %arg5[%dma_wait3A_346] : memref<4194304xi32, #tpu.memory_space<hbm>> -> memref<4096xi32, #tpu.memory_space<hbm>>
    %dma_wait3A_348 = arith.constant 0 : i32
    %dma_wait3A_349 = tpu.memref_slice %arg5[%dma_wait3A_348] : memref<4194304xi32, #tpu.memory_space<hbm>> -> memref<4096xi32, #tpu.memory_space<hbm>>
    tpu.wait_dma2 semaphore(%arg21 : memref<!tpu.dma_semaphore, #tpu.memory_space<semaphore_mem>>) src(%dma_wait3A_349 : memref<4096xi32, #tpu.memory_space<hbm>>) dst(%arg8 : memref<4096xi32, #tpu.memory_space<vmem>>)
    %dma_start3A_350 = arith.constant 0 : i32
    %dma_start3A_351 = tpu.memref_slice %arg20[%dma_start3A_350] : memref<1048576xf32, #tpu.memory_space<vmem_shared>> -> memref<1048576xf32, #tpu.memory_space<vmem_shared>>
    tpu.enqueue_indirect_dma source(%dma_start3A_351 : memref<1048576xf32, #tpu.memory_space<vmem_shared>>) target(%arg9 : memref<4096xf32, #tpu.memory_space<vmem>>) offsets(%arg8 : memref<4096xi32, #tpu.memory_space<vmem>>) semaphore(%arg25 : memref<!tpu.dma_semaphore, #tpu.memory_space<semaphore_mem>>)
    %dma_wait3A_352 = arith.constant 0 : i32
    %dma_wait3A_353 = tpu.memref_slice %arg5[%dma_wait3A_352] : memref<4194304xi32, #tpu.memory_space<hbm>> -> memref<4096xi32, #tpu.memory_space<hbm>>
    %dma_wait3A_354 = arith.constant 0 : i32
    %dma_wait3A_355 = tpu.memref_slice %arg5[%dma_wait3A_354] : memref<4194304xi32, #tpu.memory_space<hbm>> -> memref<4096xi32, #tpu.memory_space<hbm>>
    tpu.wait_dma2 semaphore(%arg22 : memref<!tpu.dma_semaphore, #tpu.memory_space<semaphore_mem>>) src(%dma_wait3A_355 : memref<4096xi32, #tpu.memory_space<hbm>>) dst(%arg14 : memref<4096xi32, #tpu.memory_space<vmem>>)
    %dma_start3A_356 = arith.constant 0 : i32
    %dma_start3A_357 = tpu.memref_slice %arg20[%dma_start3A_356] : memref<1048576xf32, #tpu.memory_space<vmem_shared>> -> memref<1048576xf32, #tpu.memory_space<vmem_shared>>
    tpu.enqueue_indirect_dma source(%dma_start3A_357 : memref<1048576xf32, #tpu.memory_space<vmem_shared>>) target(%arg15 : memref<4096xf32, #tpu.memory_space<vmem>>) offsets(%arg14 : memref<4096xi32, #tpu.memory_space<vmem>>) semaphore(%arg26 : memref<!tpu.dma_semaphore, #tpu.memory_space<semaphore_mem>>)
    %mul3A_358 = arith.constant 131072 : i32
    %mul3A_359 = arith.muli %add3A, %mul3A_358 : i32
    %min3A_360 = arith.constant 1 : i32
    %min3A_361 = arith.constant 31 : i32
    %min3A_362 = arith.minsi %min3A_360, %min3A_361 : i32
    %mul3A_363 = arith.constant 4096 : i32
    %mul3A_364 = arith.muli %min3A_362, %mul3A_363 : i32
    %add3A_365 = arith.addi %mul3A_359, %mul3A_364 : i32
    %dma_start3A_366 = tpu.memref_slice %arg2[%add3A_365] : memref<4194304xf32, #tpu.memory_space<hbm>> -> memref<4096xf32, #tpu.memory_space<hbm>>
    %dma_start3A_367 = tpu.memref_slice %arg2[%add3A_365] : memref<4194304xf32, #tpu.memory_space<hbm>> -> memref<4096xf32, #tpu.memory_space<hbm>>
    tpu.enqueue_dma source(%dma_start3A_367 : memref<4096xf32, #tpu.memory_space<hbm>>) target(%arg16 : memref<4096xf32, #tpu.memory_space<vmem>>) target_semaphore(%arg24 : memref<!tpu.dma_semaphore, #tpu.memory_space<semaphore_mem>>)
    %dma_start3A_368 = tpu.memref_slice %arg3[%add3A_365] : memref<4194304xf32, #tpu.memory_space<hbm>> -> memref<4096xf32, #tpu.memory_space<hbm>>
    %dma_start3A_369 = tpu.memref_slice %arg3[%add3A_365] : memref<4194304xf32, #tpu.memory_space<hbm>> -> memref<4096xf32, #tpu.memory_space<hbm>>
    tpu.enqueue_dma source(%dma_start3A_369 : memref<4096xf32, #tpu.memory_space<hbm>>) target(%arg17 : memref<4096xf32, #tpu.memory_space<vmem>>) target_semaphore(%arg24 : memref<!tpu.dma_semaphore, #tpu.memory_space<semaphore_mem>>)
    %dma_start3A_370 = tpu.memref_slice %arg4[%add3A_365] : memref<4194304xf32, #tpu.memory_space<hbm>> -> memref<4096xf32, #tpu.memory_space<hbm>>
    %dma_start3A_371 = tpu.memref_slice %arg4[%add3A_365] : memref<4194304xf32, #tpu.memory_space<hbm>> -> memref<4096xf32, #tpu.memory_space<hbm>>
    tpu.enqueue_dma source(%dma_start3A_371 : memref<4096xf32, #tpu.memory_space<hbm>>) target(%arg18 : memref<4096xf32, #tpu.memory_space<vmem>>) target_semaphore(%arg24 : memref<!tpu.dma_semaphore, #tpu.memory_space<semaphore_mem>>)
    %dma_wait3A_372 = arith.constant 0 : i32
    %dma_wait3A_373 = tpu.memref_slice %arg2[%dma_wait3A_372] : memref<4194304xf32, #tpu.memory_space<hbm>> -> memref<4096xf32, #tpu.memory_space<hbm>>
    %dma_wait3A_374 = arith.constant 0 : i32
    %dma_wait3A_375 = tpu.memref_slice %arg2[%dma_wait3A_374] : memref<4194304xf32, #tpu.memory_space<hbm>> -> memref<4096xf32, #tpu.memory_space<hbm>>
    tpu.wait_dma2 semaphore(%arg23 : memref<!tpu.dma_semaphore, #tpu.memory_space<semaphore_mem>>) src(%dma_wait3A_375 : memref<4096xf32, #tpu.memory_space<hbm>>) dst(%arg10 : memref<4096xf32, #tpu.memory_space<vmem>>)
    %dma_wait3A_376 = arith.constant 0 : i32
    %dma_wait3A_377 = tpu.memref_slice %arg2[%dma_wait3A_376] : memref<4194304xf32, #tpu.memory_space<hbm>> -> memref<4096xf32, #tpu.memory_space<hbm>>
    %dma_wait3A_378 = arith.constant 0 : i32
    %dma_wait3A_379 = tpu.memref_slice %arg2[%dma_wait3A_378] : memref<4194304xf32, #tpu.memory_space<hbm>> -> memref<4096xf32, #tpu.memory_space<hbm>>
    tpu.wait_dma2 semaphore(%arg23 : memref<!tpu.dma_semaphore, #tpu.memory_space<semaphore_mem>>) src(%dma_wait3A_379 : memref<4096xf32, #tpu.memory_space<hbm>>) dst(%arg10 : memref<4096xf32, #tpu.memory_space<vmem>>)
    %dma_wait3A_380 = arith.constant 0 : i32
    %dma_wait3A_381 = tpu.memref_slice %arg2[%dma_wait3A_380] : memref<4194304xf32, #tpu.memory_space<hbm>> -> memref<4096xf32, #tpu.memory_space<hbm>>
    %dma_wait3A_382 = arith.constant 0 : i32
    %dma_wait3A_383 = tpu.memref_slice %arg2[%dma_wait3A_382] : memref<4194304xf32, #tpu.memory_space<hbm>> -> memref<4096xf32, #tpu.memory_space<hbm>>
    tpu.wait_dma2 semaphore(%arg23 : memref<!tpu.dma_semaphore, #tpu.memory_space<semaphore_mem>>) src(%dma_wait3A_383 : memref<4096xf32, #tpu.memory_space<hbm>>) dst(%arg10 : memref<4096xf32, #tpu.memory_space<vmem>>)
    %dma_wait3A_384 = arith.constant 0 : i32
    %dma_wait3A_385 = tpu.memref_slice %arg20[%dma_wait3A_384] : memref<1048576xf32, #tpu.memory_space<vmem_shared>> -> memref<1048576xf32, #tpu.memory_space<vmem_shared>>
    tpu.wait_indirect_dma semaphore(%arg25 : memref<!tpu.dma_semaphore, #tpu.memory_space<semaphore_mem>>) src(%dma_wait3A_385 : memref<1048576xf32, #tpu.memory_space<vmem_shared>>) dst(%arg9 : memref<4096xf32, #tpu.memory_space<vmem>>)
    %mul3A_386 = arith.constant 131072 : i32
    %mul3A_387 = arith.muli %add3A, %mul3A_386 : i32
    %min3A_388 = arith.constant 2 : i32
    %min3A_389 = arith.constant 31 : i32
    %min3A_390 = arith.minsi %min3A_388, %min3A_389 : i32
    %mul3A_391 = arith.constant 4096 : i32
    %mul3A_392 = arith.muli %min3A_390, %mul3A_391 : i32
    %add3A_393 = arith.addi %mul3A_387, %mul3A_392 : i32
    %dma_start3A_394 = tpu.memref_slice %arg5[%add3A_393] : memref<4194304xi32, #tpu.memory_space<hbm>> -> memref<4096xi32, #tpu.memory_space<hbm>>
    %dma_start3A_395 = tpu.memref_slice %arg5[%add3A_393] : memref<4194304xi32, #tpu.memory_space<hbm>> -> memref<4096xi32, #tpu.memory_space<hbm>>
    tpu.enqueue_dma source(%dma_start3A_395 : memref<4096xi32, #tpu.memory_space<hbm>>) target(%arg8 : memref<4096xi32, #tpu.memory_space<vmem>>) target_semaphore(%arg21 : memref<!tpu.dma_semaphore, #tpu.memory_space<semaphore_mem>>)
    %parallel_loop3A = arith.constant 0 : i32
    %parallel_loop3A_396 = arith.constant 256 : i32
    %parallel_loop3A_397 = arith.constant 1 : i32
    scf.for %parallel_loop3A_488 = %parallel_loop3A to %parallel_loop3A_396 step %parallel_loop3A_397  : i32 {
      %parallel_loop3A_489 = arith.constant 16 : i32
      %parallel_loop3A_490 = arith.muli %parallel_loop3A_488, %parallel_loop3A_489 : i32
      %parallel_loop3A_491 = arith.index_cast %parallel_loop3A_490 : i32 to index
      %parallel_loop3A_492 = tpu.vector_load %arg9[%parallel_loop3A_491] {strides = array<i32>} : memref<4096xf32, #tpu.memory_space<vmem>>, vector<16xf32>,
      %parallel_loop3A_493 = vector.shape_cast %parallel_loop3A_492 : vector<16xf32> to vector<16xf32>
      %parallel_loop3A_494 = math.exp %parallel_loop3A_493 : vector<16xf32>
      %parallel_loop3A_495 = arith.constant 5.000000e-01 : f32
      %parallel_loop3A_496 = vector.broadcast %parallel_loop3A_495 : f32 to vector<16xf32>
      %parallel_loop3A_497 = arith.mulf %parallel_loop3A_496, %parallel_loop3A_494 : vector<16xf32>
      %parallel_loop3A_498 = arith.index_cast %parallel_loop3A_490 : i32 to index
      %parallel_loop3A_499 = tpu.vector_load %arg10[%parallel_loop3A_498] {strides = array<i32>} : memref<4096xf32, #tpu.memory_space<vmem>>, vector<16xf32>,
      %parallel_loop3A_500 = vector.shape_cast %parallel_loop3A_499 : vector<16xf32> to vector<16xf32>
      %parallel_loop3A_501 = arith.index_cast %parallel_loop3A_490 : i32 to index
      %parallel_loop3A_502 = tpu.vector_load %arg11[%parallel_loop3A_501] {strides = array<i32>} : memref<4096xf32, #tpu.memory_space<vmem>>, vector<16xf32>,
      %parallel_loop3A_503 = vector.shape_cast %parallel_loop3A_502 : vector<16xf32> to vector<16xf32>
      %parallel_loop3A_504 = arith.index_cast %parallel_loop3A_490 : i32 to index
      %parallel_loop3A_505 = tpu.vector_load %arg12[%parallel_loop3A_504] {strides = array<i32>} : memref<4096xf32, #tpu.memory_space<vmem>>, vector<16xf32>,
      %parallel_loop3A_506 = vector.shape_cast %parallel_loop3A_505 : vector<16xf32> to vector<16xf32>
      %parallel_loop3A_507 = arith.addf %parallel_loop3A_503, %parallel_loop3A_506 : vector<16xf32>
      %parallel_loop3A_508 = arith.mulf %parallel_loop3A_497, %parallel_loop3A_507 : vector<16xf32>
      %parallel_loop3A_509 = arith.addf %parallel_loop3A_500, %parallel_loop3A_508 : vector<16xf32>
      %parallel_loop3A_510 = arith.constant 9.99999982E-15 : f32
      %parallel_loop3A_511 = vector.broadcast %parallel_loop3A_510 : f32 to vector<16xf32>
      %parallel_loop3A_512 = arith.maximumf %parallel_loop3A_509, %parallel_loop3A_511 : vector<16xf32>
      %parallel_loop3A_513 = arith.index_cast %parallel_loop3A_490 : i32 to index
      %parallel_loop3A_514 = tpu.vector_load %arg13[%parallel_loop3A_513] {strides = array<i32>} : memref<4096xf32, #tpu.memory_space<vmem>>, vector<16xf32>,
      %parallel_loop3A_515 = vector.shape_cast %parallel_loop3A_514 : vector<16xf32> to vector<16xf32>
      %parallel_loop3A_516 = vector.shape_cast %parallel_loop3A_512 : vector<16xf32> to vector<16xf32>
      tpu.vector_store %arg13[%parallel_loop3A_513], %parallel_loop3A_516 {strides = array<i32>} : memref<4096xf32, #tpu.memory_space<vmem>>, vector<16xf32>,
    } {sc.loop_unroll_factor = 8 : i64, sc.parallel_access}
    %mul3A_398 = arith.constant 131072 : i32
    %mul3A_399 = arith.muli %add3A, %mul3A_398 : i32
    %add3A_400 = arith.constant 0 : i32
    %add3A_401 = arith.addi %mul3A_399, %add3A_400 : i32
    %dma_start3A_402 = tpu.memref_slice %arg7[%add3A_401] : memref<4194304xf32, #tpu.memory_space<hbm>> -> memref<4096xf32, #tpu.memory_space<hbm>>
    %dma_start3A_403 = tpu.memref_slice %arg7[%add3A_401] : memref<4194304xf32, #tpu.memory_space<hbm>> -> memref<4096xf32, #tpu.memory_space<hbm>>
    tpu.enqueue_dma source(%arg13 : memref<4096xf32, #tpu.memory_space<vmem>>) target(%dma_start3A_403 : memref<4096xf32, #tpu.memory_space<hbm>>) target_semaphore(%arg27 : memref<!tpu.dma_semaphore, #tpu.memory_space<semaphore_mem>>)
    %dma_wait3A_404 = arith.constant 0 : i32
    %dma_wait3A_405 = tpu.memref_slice %arg5[%dma_wait3A_404] : memref<4194304xi32, #tpu.memory_space<hbm>> -> memref<4096xi32, #tpu.memory_space<hbm>>
    %dma_wait3A_406 = arith.constant 0 : i32
    %dma_wait3A_407 = tpu.memref_slice %arg5[%dma_wait3A_406] : memref<4194304xi32, #tpu.memory_space<hbm>> -> memref<4096xi32, #tpu.memory_space<hbm>>
    tpu.wait_dma2 semaphore(%arg21 : memref<!tpu.dma_semaphore, #tpu.memory_space<semaphore_mem>>) src(%dma_wait3A_407 : memref<4096xi32, #tpu.memory_space<hbm>>) dst(%arg8 : memref<4096xi32, #tpu.memory_space<vmem>>)
    %dma_start3A_408 = arith.constant 0 : i32
    %dma_start3A_409 = tpu.memref_slice %arg20[%dma_start3A_408] : memref<1048576xf32, #tpu.memory_space<vmem_shared>> -> memref<1048576xf32, #tpu.memory_space<vmem_shared>>
    tpu.enqueue_indirect_dma source(%dma_start3A_409 : memref<1048576xf32, #tpu.memory_space<vmem_shared>>) target(%arg9 : memref<4096xf32, #tpu.memory_space<vmem>>) offsets(%arg8 : memref<4096xi32, #tpu.memory_space<vmem>>) semaphore(%arg25 : memref<!tpu.dma_semaphore, #tpu.memory_space<semaphore_mem>>)
    %mul3A_410 = arith.constant 131072 : i32
    %mul3A_411 = arith.muli %add3A, %mul3A_410 : i32
    %min3A_412 = arith.constant 2 : i32
    %min3A_413 = arith.constant 31 : i32
    %min3A_414 = arith.minsi %min3A_412, %min3A_413 : i32
    %mul3A_415 = arith.constant 4096 : i32
    %mul3A_416 = arith.muli %min3A_414, %mul3A_415 : i32
    %add3A_417 = arith.addi %mul3A_411, %mul3A_416 : i32
    %dma_start3A_418 = tpu.memref_slice %arg2[%add3A_417] : memref<4194304xf32, #tpu.memory_space<hbm>> -> memref<4096xf32, #tpu.memory_space<hbm>>
    %dma_start3A_419 = tpu.memref_slice %arg2[%add3A_417] : memref<4194304xf32, #tpu.memory_space<hbm>> -> memref<4096xf32, #tpu.memory_space<hbm>>
    tpu.enqueue_dma source(%dma_start3A_419 : memref<4096xf32, #tpu.memory_space<hbm>>) target(%arg10 : memref<4096xf32, #tpu.memory_space<vmem>>) target_semaphore(%arg23 : memref<!tpu.dma_semaphore, #tpu.memory_space<semaphore_mem>>)
    %dma_start3A_420 = tpu.memref_slice %arg3[%add3A_417] : memref<4194304xf32, #tpu.memory_space<hbm>> -> memref<4096xf32, #tpu.memory_space<hbm>>
    %dma_start3A_421 = tpu.memref_slice %arg3[%add3A_417] : memref<4194304xf32, #tpu.memory_space<hbm>> -> memref<4096xf32, #tpu.memory_space<hbm>>
    tpu.enqueue_dma source(%dma_start3A_421 : memref<4096xf32, #tpu.memory_space<hbm>>) target(%arg11 : memref<4096xf32, #tpu.memory_space<vmem>>) target_semaphore(%arg23 : memref<!tpu.dma_semaphore, #tpu.memory_space<semaphore_mem>>)
    %dma_start3A_422 = tpu.memref_slice %arg4[%add3A_417] : memref<4194304xf32, #tpu.memory_space<hbm>> -> memref<4096xf32, #tpu.memory_space<hbm>>
    %dma_start3A_423 = tpu.memref_slice %arg4[%add3A_417] : memref<4194304xf32, #tpu.memory_space<hbm>> -> memref<4096xf32, #tpu.memory_space<hbm>>
    tpu.enqueue_dma source(%dma_start3A_423 : memref<4096xf32, #tpu.memory_space<hbm>>) target(%arg12 : memref<4096xf32, #tpu.memory_space<vmem>>) target_semaphore(%arg23 : memref<!tpu.dma_semaphore, #tpu.memory_space<semaphore_mem>>)
    %dma_wait3A_424 = arith.constant 0 : i32
    %dma_wait3A_425 = tpu.memref_slice %arg2[%dma_wait3A_424] : memref<4194304xf32, #tpu.memory_space<hbm>> -> memref<4096xf32, #tpu.memory_space<hbm>>
    %dma_wait3A_426 = arith.constant 0 : i32
    %dma_wait3A_427 = tpu.memref_slice %arg2[%dma_wait3A_426] : memref<4194304xf32, #tpu.memory_space<hbm>> -> memref<4096xf32, #tpu.memory_space<hbm>>
    tpu.wait_dma2 semaphore(%arg24 : memref<!tpu.dma_semaphore, #tpu.memory_space<semaphore_mem>>) src(%dma_wait3A_427 : memref<4096xf32, #tpu.memory_space<hbm>>) dst(%arg16 : memref<4096xf32, #tpu.memory_space<vmem>>)
    %dma_wait3A_428 = arith.constant 0 : i32
    %dma_wait3A_429 = tpu.memref_slice %arg2[%dma_wait3A_428] : memref<4194304xf32, #tpu.memory_space<hbm>> -> memref<4096xf32, #tpu.memory_space<hbm>>
    %dma_wait3A_430 = arith.constant 0 : i32
    %dma_wait3A_431 = tpu.memref_slice %arg2[%dma_wait3A_430] : memref<4194304xf32, #tpu.memory_space<hbm>> -> memref<4096xf32, #tpu.memory_space<hbm>>
    tpu.wait_dma2 semaphore(%arg24 : memref<!tpu.dma_semaphore, #tpu.memory_space<semaphore_mem>>) src(%dma_wait3A_431 : memref<4096xf32, #tpu.memory_space<hbm>>) dst(%arg16 : memref<4096xf32, #tpu.memory_space<vmem>>)
    %dma_wait3A_432 = arith.constant 0 : i32
    %dma_wait3A_433 = tpu.memref_slice %arg2[%dma_wait3A_432] : memref<4194304xf32, #tpu.memory_space<hbm>> -> memref<4096xf32, #tpu.memory_space<hbm>>
    %dma_wait3A_434 = arith.constant 0 : i32
    %dma_wait3A_435 = tpu.memref_slice %arg2[%dma_wait3A_434] : memref<4194304xf32, #tpu.memory_space<hbm>> -> memref<4096xf32, #tpu.memory_space<hbm>>
    tpu.wait_dma2 semaphore(%arg24 : memref<!tpu.dma_semaphore, #tpu.memory_space<semaphore_mem>>) src(%dma_wait3A_435 : memref<4096xf32, #tpu.memory_space<hbm>>) dst(%arg16 : memref<4096xf32, #tpu.memory_space<vmem>>)
    %dma_wait3A_436 = arith.constant 0 : i32
    %dma_wait3A_437 = tpu.memref_slice %arg20[%dma_wait3A_436] : memref<1048576xf32, #tpu.memory_space<vmem_shared>> -> memref<1048576xf32, #tpu.memory_space<vmem_shared>>
    tpu.wait_indirect_dma semaphore(%arg26 : memref<!tpu.dma_semaphore, #tpu.memory_space<semaphore_mem>>) src(%dma_wait3A_437 : memref<1048576xf32, #tpu.memory_space<vmem_shared>>) dst(%arg15 : memref<4096xf32, #tpu.memory_space<vmem>>)
    %mul3A_438 = arith.constant 131072 : i32
    %mul3A_439 = arith.muli %add3A, %mul3A_438 : i32
    %min3A_440 = arith.constant 3 : i32
    %min3A_441 = arith.constant 31 : i32
    %min3A_442 = arith.minsi %min3A_440, %min3A_441 : i32
    %mul3A_443 = arith.constant 4096 : i32
    %mul3A_444 = arith.muli %min3A_442, %mul3A_443 : i32
    %add3A_445 = arith.addi %mul3A_439, %mul3A_444 : i32
    %dma_start3A_446 = tpu.memref_slice %arg5[%add3A_445] : memref<4194304xi32, #tpu.memory_space<hbm>> -> memref<4096xi32, #tpu.memory_space<hbm>>
    %dma_start3A_447 = tpu.memref_slice %arg5[%add3A_445] : memref<4194304xi32, #tpu.memory_space<hbm>> -> memref<4096xi32, #tpu.memory_space<hbm>>
    tpu.enqueue_dma source(%dma_start3A_447 : memref<4096xi32, #tpu.memory_space<hbm>>) target(%arg14 : memref<4096xi32, #tpu.memory_space<vmem>>) target_semaphore(%arg22 : memref<!tpu.dma_semaphore, #tpu.memory_space<semaphore_mem>>)
    %parallel_loop3A_448 = arith.constant 0 : i32
    %parallel_loop3A_449 = arith.constant 256 : i32
    %parallel_loop3A_450 = arith.constant 1 : i32
    scf.for %parallel_loop3A_488 = %parallel_loop3A_448 to %parallel_loop3A_449 step %parallel_loop3A_450  : i32 {
      %parallel_loop3A_489 = arith.constant 16 : i32
      %parallel_loop3A_490 = arith.muli %parallel_loop3A_488, %parallel_loop3A_489 : i32
      %parallel_loop3A_491 = arith.index_cast %parallel_loop3A_490 : i32 to index
      %parallel_loop3A_492 = tpu.vector_load %arg15[%parallel_loop3A_491] {strides = array<i32>} : memref<4096xf32, #tpu.memory_space<vmem>>, vector<16xf32>,
      %parallel_loop3A_493 = vector.shape_cast %parallel_loop3A_492 : vector<16xf32> to vector<16xf32>
      %parallel_loop3A_494 = math.exp %parallel_loop3A_493 : vector<16xf32>
      %parallel_loop3A_495 = arith.constant 5.000000e-01 : f32
      %parallel_loop3A_496 = vector.broadcast %parallel_loop3A_495 : f32 to vector<16xf32>
      %parallel_loop3A_497 = arith.mulf %parallel_loop3A_496, %parallel_loop3A_494 : vector<16xf32>
      %parallel_loop3A_498 = arith.index_cast %parallel_loop3A_490 : i32 to index
      %parallel_loop3A_499 = tpu.vector_load %arg16[%parallel_loop3A_498] {strides = array<i32>} : memref<4096xf32, #tpu.memory_space<vmem>>, vector<16xf32>,
      %parallel_loop3A_500 = vector.shape_cast %parallel_loop3A_499 : vector<16xf32> to vector<16xf32>
      %parallel_loop3A_501 = arith.index_cast %parallel_loop3A_490 : i32 to index
      %parallel_loop3A_502 = tpu.vector_load %arg17[%parallel_loop3A_501] {strides = array<i32>} : memref<4096xf32, #tpu.memory_space<vmem>>, vector<16xf32>,
      %parallel_loop3A_503 = vector.shape_cast %parallel_loop3A_502 : vector<16xf32> to vector<16xf32>
      %parallel_loop3A_504 = arith.index_cast %parallel_loop3A_490 : i32 to index
      %parallel_loop3A_505 = tpu.vector_load %arg18[%parallel_loop3A_504] {strides = array<i32>} : memref<4096xf32, #tpu.memory_space<vmem>>, vector<16xf32>,
      %parallel_loop3A_506 = vector.shape_cast %parallel_loop3A_505 : vector<16xf32> to vector<16xf32>
      %parallel_loop3A_507 = arith.addf %parallel_loop3A_503, %parallel_loop3A_506 : vector<16xf32>
      %parallel_loop3A_508 = arith.mulf %parallel_loop3A_497, %parallel_loop3A_507 : vector<16xf32>
      %parallel_loop3A_509 = arith.addf %parallel_loop3A_500, %parallel_loop3A_508 : vector<16xf32>
      %parallel_loop3A_510 = arith.constant 9.99999982E-15 : f32
      %parallel_loop3A_511 = vector.broadcast %parallel_loop3A_510 : f32 to vector<16xf32>
      %parallel_loop3A_512 = arith.maximumf %parallel_loop3A_509, %parallel_loop3A_511 : vector<16xf32>
      %parallel_loop3A_513 = arith.index_cast %parallel_loop3A_490 : i32 to index
      %parallel_loop3A_514 = tpu.vector_load %arg19[%parallel_loop3A_513] {strides = array<i32>} : memref<4096xf32, #tpu.memory_space<vmem>>, vector<16xf32>,
      %parallel_loop3A_515 = vector.shape_cast %parallel_loop3A_514 : vector<16xf32> to vector<16xf32>
      %parallel_loop3A_516 = vector.shape_cast %parallel_loop3A_512 : vector<16xf32> to vector<16xf32>
      tpu.vector_store %arg19[%parallel_loop3A_513], %parallel_loop3A_516 {strides = array<i32>} : memref<4096xf32, #tpu.memory_space<vmem>>, vector<16xf32>,
    } {sc.loop_unroll_factor = 8 : i64, sc.parallel_access}
    %mul3A_451 = arith.constant 131072 : i32
    %mul3A_452 = arith.muli %add3A, %mul3A_451 : i32
    %add3A_453 = arith.constant 4096 : i32
    %add3A_454 = arith.addi %mul3A_452, %add3A_453 : i32
    %dma_start3A_455 = tpu.memref_slice %arg7[%add3A_454] : memref<4194304xf32, #tpu.memory_space<hbm>> -> memref<4096xf32, #tpu.memory_space<hbm>>
    %dma_start3A_456 = tpu.memref_slice %arg7[%add3A_454] : memref<4194304xf32, #tpu.memory_space<hbm>> -> memref<4096xf32, #tpu.memory_space<hbm>>
    tpu.enqueue_dma source(%arg19 : memref<4096xf32, #tpu.memory_space<vmem>>) target(%dma_start3A_456 : memref<4096xf32, #tpu.memory_space<hbm>>) target_semaphore(%arg28 : memref<!tpu.dma_semaphore, #tpu.memory_space<semaphore_mem>>)
    %scan3A = arith.constant 0 : i32
    %scan3A_457 = arith.constant 1 : i32
    %scan3A_458 = arith.constant 15 : i32
    %scan3A_459 = arith.addi %scan3A_457, %scan3A_458 : i32
    %scan3A_460 = arith.constant 1 : i32
    scf.for %scan3A_488 = %scan3A_457 to %scan3A_459 step %scan3A_460  : i32 {
      %mul3A_489 = arith.constant 2 : i32
      %mul3A_490 = arith.muli %mul3A_489, %scan3A_488 : i32
      %dma_wait3A_491 = arith.constant 0 : i32
      %dma_wait3A_492 = tpu.memref_slice %arg5[%dma_wait3A_491] : memref<4194304xi32, #tpu.memory_space<hbm>> -> memref<4096xi32, #tpu.memory_space<hbm>>
      %dma_wait3A_493 = arith.constant 0 : i32
      %dma_wait3A_494 = tpu.memref_slice %arg5[%dma_wait3A_493] : memref<4194304xi32, #tpu.memory_space<hbm>> -> memref<4096xi32, #tpu.memory_space<hbm>>
      tpu.wait_dma2 semaphore(%arg22 : memref<!tpu.dma_semaphore, #tpu.memory_space<semaphore_mem>>) src(%dma_wait3A_494 : memref<4096xi32, #tpu.memory_space<hbm>>) dst(%arg14 : memref<4096xi32, #tpu.memory_space<vmem>>)
      %dma_start3A_495 = arith.constant 0 : i32
      %dma_start3A_496 = tpu.memref_slice %arg20[%dma_start3A_495] : memref<1048576xf32, #tpu.memory_space<vmem_shared>> -> memref<1048576xf32, #tpu.memory_space<vmem_shared>>
      tpu.enqueue_indirect_dma source(%dma_start3A_496 : memref<1048576xf32, #tpu.memory_space<vmem_shared>>) target(%arg15 : memref<4096xf32, #tpu.memory_space<vmem>>) offsets(%arg14 : memref<4096xi32, #tpu.memory_space<vmem>>) semaphore(%arg26 : memref<!tpu.dma_semaphore, #tpu.memory_space<semaphore_mem>>)
      %add3A_497 = arith.constant 1 : i32
      %add3A_498 = arith.addi %mul3A_490, %add3A_497 : i32
      %mul3A_499 = arith.constant 131072 : i32
      %mul3A_500 = arith.muli %add3A, %mul3A_499 : i32
      %min3A_501 = arith.constant 31 : i32
      %min3A_502 = arith.minsi %add3A_498, %min3A_501 : i32
      %mul3A_503 = arith.constant 4096 : i32
      %mul3A_504 = arith.muli %min3A_502, %mul3A_503 : i32
      %add3A_505 = arith.addi %mul3A_500, %mul3A_504 : i32
      %dma_start3A_506 = tpu.memref_slice %arg2[%add3A_505] : memref<4194304xf32, #tpu.memory_space<hbm>> -> memref<4096xf32, #tpu.memory_space<hbm>>
      %dma_start3A_507 = tpu.memref_slice %arg2[%add3A_505] : memref<4194304xf32, #tpu.memory_space<hbm>> -> memref<4096xf32, #tpu.memory_space<hbm>>
      tpu.enqueue_dma source(%dma_start3A_507 : memref<4096xf32, #tpu.memory_space<hbm>>) target(%arg16 : memref<4096xf32, #tpu.memory_space<vmem>>) target_semaphore(%arg24 : memref<!tpu.dma_semaphore, #tpu.memory_space<semaphore_mem>>)
      %dma_start3A_508 = tpu.memref_slice %arg3[%add3A_505] : memref<4194304xf32, #tpu.memory_space<hbm>> -> memref<4096xf32, #tpu.memory_space<hbm>>
      %dma_start3A_509 = tpu.memref_slice %arg3[%add3A_505] : memref<4194304xf32, #tpu.memory_space<hbm>> -> memref<4096xf32, #tpu.memory_space<hbm>>
      tpu.enqueue_dma source(%dma_start3A_509 : memref<4096xf32, #tpu.memory_space<hbm>>) target(%arg17 : memref<4096xf32, #tpu.memory_space<vmem>>) target_semaphore(%arg24 : memref<!tpu.dma_semaphore, #tpu.memory_space<semaphore_mem>>)
      %dma_start3A_510 = tpu.memref_slice %arg4[%add3A_505] : memref<4194304xf32, #tpu.memory_space<hbm>> -> memref<4096xf32, #tpu.memory_space<hbm>>
      %dma_start3A_511 = tpu.memref_slice %arg4[%add3A_505] : memref<4194304xf32, #tpu.memory_space<hbm>> -> memref<4096xf32, #tpu.memory_space<hbm>>
      tpu.enqueue_dma source(%dma_start3A_511 : memref<4096xf32, #tpu.memory_space<hbm>>) target(%arg18 : memref<4096xf32, #tpu.memory_space<vmem>>) target_semaphore(%arg24 : memref<!tpu.dma_semaphore, #tpu.memory_space<semaphore_mem>>)
      %dma_wait3A_512 = arith.constant 0 : i32
      %dma_wait3A_513 = tpu.memref_slice %arg2[%dma_wait3A_512] : memref<4194304xf32, #tpu.memory_space<hbm>> -> memref<4096xf32, #tpu.memory_space<hbm>>
      %dma_wait3A_514 = arith.constant 0 : i32
      %dma_wait3A_515 = tpu.memref_slice %arg2[%dma_wait3A_514] : memref<4194304xf32, #tpu.memory_space<hbm>> -> memref<4096xf32, #tpu.memory_space<hbm>>
      tpu.wait_dma2 semaphore(%arg23 : memref<!tpu.dma_semaphore, #tpu.memory_space<semaphore_mem>>) src(%dma_wait3A_515 : memref<4096xf32, #tpu.memory_space<hbm>>) dst(%arg10 : memref<4096xf32, #tpu.memory_space<vmem>>)
      %dma_wait3A_516 = arith.constant 0 : i32
      %dma_wait3A_517 = tpu.memref_slice %arg2[%dma_wait3A_516] : memref<4194304xf32, #tpu.memory_space<hbm>> -> memref<4096xf32, #tpu.memory_space<hbm>>
      %dma_wait3A_518 = arith.constant 0 : i32
      %dma_wait3A_519 = tpu.memref_slice %arg2[%dma_wait3A_518] : memref<4194304xf32, #tpu.memory_space<hbm>> -> memref<4096xf32, #tpu.memory_space<hbm>>
      tpu.wait_dma2 semaphore(%arg23 : memref<!tpu.dma_semaphore, #tpu.memory_space<semaphore_mem>>) src(%dma_wait3A_519 : memref<4096xf32, #tpu.memory_space<hbm>>) dst(%arg10 : memref<4096xf32, #tpu.memory_space<vmem>>)
      %dma_wait3A_520 = arith.constant 0 : i32
      %dma_wait3A_521 = tpu.memref_slice %arg2[%dma_wait3A_520] : memref<4194304xf32, #tpu.memory_space<hbm>> -> memref<4096xf32, #tpu.memory_space<hbm>>
      %dma_wait3A_522 = arith.constant 0 : i32
      %dma_wait3A_523 = tpu.memref_slice %arg2[%dma_wait3A_522] : memref<4194304xf32, #tpu.memory_space<hbm>> -> memref<4096xf32, #tpu.memory_space<hbm>>
      tpu.wait_dma2 semaphore(%arg23 : memref<!tpu.dma_semaphore, #tpu.memory_space<semaphore_mem>>) src(%dma_wait3A_523 : memref<4096xf32, #tpu.memory_space<hbm>>) dst(%arg10 : memref<4096xf32, #tpu.memory_space<vmem>>)
      %dma_wait3A_524 = arith.constant 0 : i32
      %dma_wait3A_525 = tpu.memref_slice %arg20[%dma_wait3A_524] : memref<1048576xf32, #tpu.memory_space<vmem_shared>> -> memref<1048576xf32, #tpu.memory_space<vmem_shared>>
      tpu.wait_indirect_dma semaphore(%arg25 : memref<!tpu.dma_semaphore, #tpu.memory_space<semaphore_mem>>) src(%dma_wait3A_525 : memref<1048576xf32, #tpu.memory_space<vmem_shared>>) dst(%arg9 : memref<4096xf32, #tpu.memory_space<vmem>>)
      %dma_wait3A_526 = arith.constant 0 : i32
      %dma_wait3A_527 = tpu.memref_slice %arg7[%dma_wait3A_526] : memref<4194304xf32, #tpu.memory_space<hbm>> -> memref<4096xf32, #tpu.memory_space<hbm>>
      %dma_wait3A_528 = arith.constant 0 : i32
      %dma_wait3A_529 = tpu.memref_slice %arg7[%dma_wait3A_528] : memref<4194304xf32, #tpu.memory_space<hbm>> -> memref<4096xf32, #tpu.memory_space<hbm>>
      tpu.wait_dma2 semaphore(%arg27 : memref<!tpu.dma_semaphore, #tpu.memory_space<semaphore_mem>>) src(%arg13 : memref<4096xf32, #tpu.memory_space<vmem>>) dst(%dma_wait3A_529 : memref<4096xf32, #tpu.memory_space<hbm>>)
      %add3A_530 = arith.constant 2 : i32
      %add3A_531 = arith.addi %mul3A_490, %add3A_530 : i32
      %mul3A_532 = arith.constant 131072 : i32
      %mul3A_533 = arith.muli %add3A, %mul3A_532 : i32
      %min3A_534 = arith.constant 31 : i32
      %min3A_535 = arith.minsi %add3A_531, %min3A_534 : i32
      %mul3A_536 = arith.constant 4096 : i32
      %mul3A_537 = arith.muli %min3A_535, %mul3A_536 : i32
      %add3A_538 = arith.addi %mul3A_533, %mul3A_537 : i32
      %dma_start3A_539 = tpu.memref_slice %arg5[%add3A_538] : memref<4194304xi32, #tpu.memory_space<hbm>> -> memref<4096xi32, #tpu.memory_space<hbm>>
      %dma_start3A_540 = tpu.memref_slice %arg5[%add3A_538] : memref<4194304xi32, #tpu.memory_space<hbm>> -> memref<4096xi32, #tpu.memory_space<hbm>>
      tpu.enqueue_dma source(%dma_start3A_540 : memref<4096xi32, #tpu.memory_space<hbm>>) target(%arg8 : memref<4096xi32, #tpu.memory_space<vmem>>) target_semaphore(%arg21 : memref<!tpu.dma_semaphore, #tpu.memory_space<semaphore_mem>>)
      %parallel_loop3A_541 = arith.constant 0 : i32
      %parallel_loop3A_542 = arith.constant 256 : i32
      %parallel_loop3A_543 = arith.constant 1 : i32
      scf.for %parallel_loop3A_615 = %parallel_loop3A_541 to %parallel_loop3A_542 step %parallel_loop3A_543  : i32 {
        %parallel_loop3A_616 = arith.constant 16 : i32
        %parallel_loop3A_617 = arith.muli %parallel_loop3A_615, %parallel_loop3A_616 : i32
        %parallel_loop3A_618 = arith.index_cast %parallel_loop3A_617 : i32 to index
        %parallel_loop3A_619 = tpu.vector_load %arg9[%parallel_loop3A_618] {strides = array<i32>} : memref<4096xf32, #tpu.memory_space<vmem>>, vector<16xf32>,
        %parallel_loop3A_620 = vector.shape_cast %parallel_loop3A_619 : vector<16xf32> to vector<16xf32>
        %parallel_loop3A_621 = math.exp %parallel_loop3A_620 : vector<16xf32>
        %parallel_loop3A_622 = arith.constant 5.000000e-01 : f32
        %parallel_loop3A_623 = vector.broadcast %parallel_loop3A_622 : f32 to vector<16xf32>
        %parallel_loop3A_624 = arith.mulf %parallel_loop3A_623, %parallel_loop3A_621 : vector<16xf32>
        %parallel_loop3A_625 = arith.index_cast %parallel_loop3A_617 : i32 to index
        %parallel_loop3A_626 = tpu.vector_load %arg10[%parallel_loop3A_625] {strides = array<i32>} : memref<4096xf32, #tpu.memory_space<vmem>>, vector<16xf32>,
        %parallel_loop3A_627 = vector.shape_cast %parallel_loop3A_626 : vector<16xf32> to vector<16xf32>
        %parallel_loop3A_628 = arith.index_cast %parallel_loop3A_617 : i32 to index
        %parallel_loop3A_629 = tpu.vector_load %arg11[%parallel_loop3A_628] {strides = array<i32>} : memref<4096xf32, #tpu.memory_space<vmem>>, vector<16xf32>,
        %parallel_loop3A_630 = vector.shape_cast %parallel_loop3A_629 : vector<16xf32> to vector<16xf32>
        %parallel_loop3A_631 = arith.index_cast %parallel_loop3A_617 : i32 to index
        %parallel_loop3A_632 = tpu.vector_load %arg12[%parallel_loop3A_631] {strides = array<i32>} : memref<4096xf32, #tpu.memory_space<vmem>>, vector<16xf32>,
        %parallel_loop3A_633 = vector.shape_cast %parallel_loop3A_632 : vector<16xf32> to vector<16xf32>
        %parallel_loop3A_634 = arith.addf %parallel_loop3A_630, %parallel_loop3A_633 : vector<16xf32>
        %parallel_loop3A_635 = arith.mulf %parallel_loop3A_624, %parallel_loop3A_634 : vector<16xf32>
        %parallel_loop3A_636 = arith.addf %parallel_loop3A_627, %parallel_loop3A_635 : vector<16xf32>
        %parallel_loop3A_637 = arith.constant 9.99999982E-15 : f32
        %parallel_loop3A_638 = vector.broadcast %parallel_loop3A_637 : f32 to vector<16xf32>
        %parallel_loop3A_639 = arith.maximumf %parallel_loop3A_636, %parallel_loop3A_638 : vector<16xf32>
        %parallel_loop3A_640 = arith.index_cast %parallel_loop3A_617 : i32 to index
        %parallel_loop3A_641 = tpu.vector_load %arg13[%parallel_loop3A_640] {strides = array<i32>} : memref<4096xf32, #tpu.memory_space<vmem>>, vector<16xf32>,
        %parallel_loop3A_642 = vector.shape_cast %parallel_loop3A_641 : vector<16xf32> to vector<16xf32>
        %parallel_loop3A_643 = vector.shape_cast %parallel_loop3A_639 : vector<16xf32> to vector<16xf32>
        tpu.vector_store %arg13[%parallel_loop3A_640], %parallel_loop3A_643 {strides = array<i32>} : memref<4096xf32, #tpu.memory_space<vmem>>, vector<16xf32>,
      } {sc.loop_unroll_factor = 8 : i64, sc.parallel_access}
      %mul3A_544 = arith.constant 131072 : i32
      %mul3A_545 = arith.muli %add3A, %mul3A_544 : i32
      %mul3A_546 = arith.constant 4096 : i32
      %mul3A_547 = arith.muli %mul3A_490, %mul3A_546 : i32
      %add3A_548 = arith.addi %mul3A_545, %mul3A_547 : i32
      %dma_start3A_549 = tpu.memref_slice %arg7[%add3A_548] : memref<4194304xf32, #tpu.memory_space<hbm>> -> memref<4096xf32, #tpu.memory_space<hbm>>
      %dma_start3A_550 = tpu.memref_slice %arg7[%add3A_548] : memref<4194304xf32, #tpu.memory_space<hbm>> -> memref<4096xf32, #tpu.memory_space<hbm>>
      tpu.enqueue_dma source(%arg13 : memref<4096xf32, #tpu.memory_space<vmem>>) target(%dma_start3A_550 : memref<4096xf32, #tpu.memory_space<hbm>>) target_semaphore(%arg27 : memref<!tpu.dma_semaphore, #tpu.memory_space<semaphore_mem>>)
      %mul3A_551 = arith.constant 2 : i32
      %mul3A_552 = arith.muli %mul3A_551, %scan3A_488 : i32
      %add3A_553 = arith.constant 1 : i32
      %add3A_554 = arith.addi %mul3A_552, %add3A_553 : i32
      %dma_wait3A_555 = arith.constant 0 : i32
      %dma_wait3A_556 = tpu.memref_slice %arg5[%dma_wait3A_555] : memref<4194304xi32, #tpu.memory_space<hbm>> -> memref<4096xi32, #tpu.memory_space<hbm>>
      %dma_wait3A_557 = arith.constant 0 : i32
      %dma_wait3A_558 = tpu.memref_slice %arg5[%dma_wait3A_557] : memref<4194304xi32, #tpu.memory_space<hbm>> -> memref<4096xi32, #tpu.memory_space<hbm>>
      tpu.wait_dma2 semaphore(%arg21 : memref<!tpu.dma_semaphore, #tpu.memory_space<semaphore_mem>>) src(%dma_wait3A_558 : memref<4096xi32, #tpu.memory_space<hbm>>) dst(%arg8 : memref<4096xi32, #tpu.memory_space<vmem>>)
      %dma_start3A_559 = arith.constant 0 : i32
      %dma_start3A_560 = tpu.memref_slice %arg20[%dma_start3A_559] : memref<1048576xf32, #tpu.memory_space<vmem_shared>> -> memref<1048576xf32, #tpu.memory_space<vmem_shared>>
      tpu.enqueue_indirect_dma source(%dma_start3A_560 : memref<1048576xf32, #tpu.memory_space<vmem_shared>>) target(%arg9 : memref<4096xf32, #tpu.memory_space<vmem>>) offsets(%arg8 : memref<4096xi32, #tpu.memory_space<vmem>>) semaphore(%arg25 : memref<!tpu.dma_semaphore, #tpu.memory_space<semaphore_mem>>)
      %add3A_561 = arith.constant 1 : i32
      %add3A_562 = arith.addi %add3A_554, %add3A_561 : i32
      %mul3A_563 = arith.constant 131072 : i32
      %mul3A_564 = arith.muli %add3A, %mul3A_563 : i32
      %min3A_565 = arith.constant 31 : i32
      %min3A_566 = arith.minsi %add3A_562, %min3A_565 : i32
      %mul3A_567 = arith.constant 4096 : i32
      %mul3A_568 = arith.muli %min3A_566, %mul3A_567 : i32
      %add3A_569 = arith.addi %mul3A_564, %mul3A_568 : i32
      %dma_start3A_570 = tpu.memref_slice %arg2[%add3A_569] : memref<4194304xf32, #tpu.memory_space<hbm>> -> memref<4096xf32, #tpu.memory_space<hbm>>
      %dma_start3A_571 = tpu.memref_slice %arg2[%add3A_569] : memref<4194304xf32, #tpu.memory_space<hbm>> -> memref<4096xf32, #tpu.memory_space<hbm>>
      tpu.enqueue_dma source(%dma_start3A_571 : memref<4096xf32, #tpu.memory_space<hbm>>) target(%arg10 : memref<4096xf32, #tpu.memory_space<vmem>>) target_semaphore(%arg23 : memref<!tpu.dma_semaphore, #tpu.memory_space<semaphore_mem>>)
      %dma_start3A_572 = tpu.memref_slice %arg3[%add3A_569] : memref<4194304xf32, #tpu.memory_space<hbm>> -> memref<4096xf32, #tpu.memory_space<hbm>>
      %dma_start3A_573 = tpu.memref_slice %arg3[%add3A_569] : memref<4194304xf32, #tpu.memory_space<hbm>> -> memref<4096xf32, #tpu.memory_space<hbm>>
      tpu.enqueue_dma source(%dma_start3A_573 : memref<4096xf32, #tpu.memory_space<hbm>>) target(%arg11 : memref<4096xf32, #tpu.memory_space<vmem>>) target_semaphore(%arg23 : memref<!tpu.dma_semaphore, #tpu.memory_space<semaphore_mem>>)
      %dma_start3A_574 = tpu.memref_slice %arg4[%add3A_569] : memref<4194304xf32, #tpu.memory_space<hbm>> -> memref<4096xf32, #tpu.memory_space<hbm>>
      %dma_start3A_575 = tpu.memref_slice %arg4[%add3A_569] : memref<4194304xf32, #tpu.memory_space<hbm>> -> memref<4096xf32, #tpu.memory_space<hbm>>
      tpu.enqueue_dma source(%dma_start3A_575 : memref<4096xf32, #tpu.memory_space<hbm>>) target(%arg12 : memref<4096xf32, #tpu.memory_space<vmem>>) target_semaphore(%arg23 : memref<!tpu.dma_semaphore, #tpu.memory_space<semaphore_mem>>)
      %dma_wait3A_576 = arith.constant 0 : i32
      %dma_wait3A_577 = tpu.memref_slice %arg2[%dma_wait3A_576] : memref<4194304xf32, #tpu.memory_space<hbm>> -> memref<4096xf32, #tpu.memory_space<hbm>>
      %dma_wait3A_578 = arith.constant 0 : i32
      %dma_wait3A_579 = tpu.memref_slice %arg2[%dma_wait3A_578] : memref<4194304xf32, #tpu.memory_space<hbm>> -> memref<4096xf32, #tpu.memory_space<hbm>>
      tpu.wait_dma2 semaphore(%arg24 : memref<!tpu.dma_semaphore, #tpu.memory_space<semaphore_mem>>) src(%dma_wait3A_579 : memref<4096xf32, #tpu.memory_space<hbm>>) dst(%arg16 : memref<4096xf32, #tpu.memory_space<vmem>>)
      %dma_wait3A_580 = arith.constant 0 : i32
      %dma_wait3A_581 = tpu.memref_slice %arg2[%dma_wait3A_580] : memref<4194304xf32, #tpu.memory_space<hbm>> -> memref<4096xf32, #tpu.memory_space<hbm>>
      %dma_wait3A_582 = arith.constant 0 : i32
      %dma_wait3A_583 = tpu.memref_slice %arg2[%dma_wait3A_582] : memref<4194304xf32, #tpu.memory_space<hbm>> -> memref<4096xf32, #tpu.memory_space<hbm>>
      tpu.wait_dma2 semaphore(%arg24 : memref<!tpu.dma_semaphore, #tpu.memory_space<semaphore_mem>>) src(%dma_wait3A_583 : memref<4096xf32, #tpu.memory_space<hbm>>) dst(%arg16 : memref<4096xf32, #tpu.memory_space<vmem>>)
      %dma_wait3A_584 = arith.constant 0 : i32
      %dma_wait3A_585 = tpu.memref_slice %arg2[%dma_wait3A_584] : memref<4194304xf32, #tpu.memory_space<hbm>> -> memref<4096xf32, #tpu.memory_space<hbm>>
      %dma_wait3A_586 = arith.constant 0 : i32
      %dma_wait3A_587 = tpu.memref_slice %arg2[%dma_wait3A_586] : memref<4194304xf32, #tpu.memory_space<hbm>> -> memref<4096xf32, #tpu.memory_space<hbm>>
      tpu.wait_dma2 semaphore(%arg24 : memref<!tpu.dma_semaphore, #tpu.memory_space<semaphore_mem>>) src(%dma_wait3A_587 : memref<4096xf32, #tpu.memory_space<hbm>>) dst(%arg16 : memref<4096xf32, #tpu.memory_space<vmem>>)
      %dma_wait3A_588 = arith.constant 0 : i32
      %dma_wait3A_589 = tpu.memref_slice %arg20[%dma_wait3A_588] : memref<1048576xf32, #tpu.memory_space<vmem_shared>> -> memref<1048576xf32, #tpu.memory_space<vmem_shared>>
      tpu.wait_indirect_dma semaphore(%arg26 : memref<!tpu.dma_semaphore, #tpu.memory_space<semaphore_mem>>) src(%dma_wait3A_589 : memref<1048576xf32, #tpu.memory_space<vmem_shared>>) dst(%arg15 : memref<4096xf32, #tpu.memory_space<vmem>>)
      %dma_wait3A_590 = arith.constant 0 : i32
      %dma_wait3A_591 = tpu.memref_slice %arg7[%dma_wait3A_590] : memref<4194304xf32, #tpu.memory_space<hbm>> -> memref<4096xf32, #tpu.memory_space<hbm>>
      %dma_wait3A_592 = arith.constant 0 : i32
      %dma_wait3A_593 = tpu.memref_slice %arg7[%dma_wait3A_592] : memref<4194304xf32, #tpu.memory_space<hbm>> -> memref<4096xf32, #tpu.memory_space<hbm>>
      tpu.wait_dma2 semaphore(%arg28 : memref<!tpu.dma_semaphore, #tpu.memory_space<semaphore_mem>>) src(%arg19 : memref<4096xf32, #tpu.memory_space<vmem>>) dst(%dma_wait3A_593 : memref<4096xf32, #tpu.memory_space<hbm>>)
      %add3A_594 = arith.constant 2 : i32
      %add3A_595 = arith.addi %add3A_554, %add3A_594 : i32
      %mul3A_596 = arith.constant 131072 : i32
      %mul3A_597 = arith.muli %add3A, %mul3A_596 : i32
      %min3A_598 = arith.constant 31 : i32
      %min3A_599 = arith.minsi %add3A_595, %min3A_598 : i32
      %mul3A_600 = arith.constant 4096 : i32
      %mul3A_601 = arith.muli %min3A_599, %mul3A_600 : i32
      %add3A_602 = arith.addi %mul3A_597, %mul3A_601 : i32
      %dma_start3A_603 = tpu.memref_slice %arg5[%add3A_602] : memref<4194304xi32, #tpu.memory_space<hbm>> -> memref<4096xi32, #tpu.memory_space<hbm>>
      %dma_start3A_604 = tpu.memref_slice %arg5[%add3A_602] : memref<4194304xi32, #tpu.memory_space<hbm>> -> memref<4096xi32, #tpu.memory_space<hbm>>
      tpu.enqueue_dma source(%dma_start3A_604 : memref<4096xi32, #tpu.memory_space<hbm>>) target(%arg14 : memref<4096xi32, #tpu.memory_space<vmem>>) target_semaphore(%arg22 : memref<!tpu.dma_semaphore, #tpu.memory_space<semaphore_mem>>)
      %parallel_loop3A_605 = arith.constant 0 : i32
      %parallel_loop3A_606 = arith.constant 256 : i32
      %parallel_loop3A_607 = arith.constant 1 : i32
      scf.for %parallel_loop3A_615 = %parallel_loop3A_605 to %parallel_loop3A_606 step %parallel_loop3A_607  : i32 {
        %parallel_loop3A_616 = arith.constant 16 : i32
        %parallel_loop3A_617 = arith.muli %parallel_loop3A_615, %parallel_loop3A_616 : i32
        %parallel_loop3A_618 = arith.index_cast %parallel_loop3A_617 : i32 to index
        %parallel_loop3A_619 = tpu.vector_load %arg15[%parallel_loop3A_618] {strides = array<i32>} : memref<4096xf32, #tpu.memory_space<vmem>>, vector<16xf32>,
        %parallel_loop3A_620 = vector.shape_cast %parallel_loop3A_619 : vector<16xf32> to vector<16xf32>
        %parallel_loop3A_621 = math.exp %parallel_loop3A_620 : vector<16xf32>
        %parallel_loop3A_622 = arith.constant 5.000000e-01 : f32
        %parallel_loop3A_623 = vector.broadcast %parallel_loop3A_622 : f32 to vector<16xf32>
        %parallel_loop3A_624 = arith.mulf %parallel_loop3A_623, %parallel_loop3A_621 : vector<16xf32>
        %parallel_loop3A_625 = arith.index_cast %parallel_loop3A_617 : i32 to index
        %parallel_loop3A_626 = tpu.vector_load %arg16[%parallel_loop3A_625] {strides = array<i32>} : memref<4096xf32, #tpu.memory_space<vmem>>, vector<16xf32>,
        %parallel_loop3A_627 = vector.shape_cast %parallel_loop3A_626 : vector<16xf32> to vector<16xf32>
        %parallel_loop3A_628 = arith.index_cast %parallel_loop3A_617 : i32 to index
        %parallel_loop3A_629 = tpu.vector_load %arg17[%parallel_loop3A_628] {strides = array<i32>} : memref<4096xf32, #tpu.memory_space<vmem>>, vector<16xf32>,
        %parallel_loop3A_630 = vector.shape_cast %parallel_loop3A_629 : vector<16xf32> to vector<16xf32>
        %parallel_loop3A_631 = arith.index_cast %parallel_loop3A_617 : i32 to index
        %parallel_loop3A_632 = tpu.vector_load %arg18[%parallel_loop3A_631] {strides = array<i32>} : memref<4096xf32, #tpu.memory_space<vmem>>, vector<16xf32>,
        %parallel_loop3A_633 = vector.shape_cast %parallel_loop3A_632 : vector<16xf32> to vector<16xf32>
        %parallel_loop3A_634 = arith.addf %parallel_loop3A_630, %parallel_loop3A_633 : vector<16xf32>
        %parallel_loop3A_635 = arith.mulf %parallel_loop3A_624, %parallel_loop3A_634 : vector<16xf32>
        %parallel_loop3A_636 = arith.addf %parallel_loop3A_627, %parallel_loop3A_635 : vector<16xf32>
        %parallel_loop3A_637 = arith.constant 9.99999982E-15 : f32
        %parallel_loop3A_638 = vector.broadcast %parallel_loop3A_637 : f32 to vector<16xf32>
        %parallel_loop3A_639 = arith.maximumf %parallel_loop3A_636, %parallel_loop3A_638 : vector<16xf32>
        %parallel_loop3A_640 = arith.index_cast %parallel_loop3A_617 : i32 to index
        %parallel_loop3A_641 = tpu.vector_load %arg19[%parallel_loop3A_640] {strides = array<i32>} : memref<4096xf32, #tpu.memory_space<vmem>>, vector<16xf32>,
        %parallel_loop3A_642 = vector.shape_cast %parallel_loop3A_641 : vector<16xf32> to vector<16xf32>
        %parallel_loop3A_643 = vector.shape_cast %parallel_loop3A_639 : vector<16xf32> to vector<16xf32>
        tpu.vector_store %arg19[%parallel_loop3A_640], %parallel_loop3A_643 {strides = array<i32>} : memref<4096xf32, #tpu.memory_space<vmem>>, vector<16xf32>,
      } {sc.loop_unroll_factor = 8 : i64, sc.parallel_access}
      %mul3A_608 = arith.constant 131072 : i32
      %mul3A_609 = arith.muli %add3A, %mul3A_608 : i32
      %mul3A_610 = arith.constant 4096 : i32
      %mul3A_611 = arith.muli %add3A_554, %mul3A_610 : i32
      %add3A_612 = arith.addi %mul3A_609, %mul3A_611 : i32
      %dma_start3A_613 = tpu.memref_slice %arg7[%add3A_612] : memref<4194304xf32, #tpu.memory_space<hbm>> -> memref<4096xf32, #tpu.memory_space<hbm>>
      %dma_start3A_614 = tpu.memref_slice %arg7[%add3A_612] : memref<4194304xf32, #tpu.memory_space<hbm>> -> memref<4096xf32, #tpu.memory_space<hbm>>
      tpu.enqueue_dma source(%arg19 : memref<4096xf32, #tpu.memory_space<vmem>>) target(%dma_start3A_614 : memref<4096xf32, #tpu.memory_space<hbm>>) target_semaphore(%arg28 : memref<!tpu.dma_semaphore, #tpu.memory_space<semaphore_mem>>)
    }
    %scan3A_461 = arith.constant 15 : i32
    %dma_wait3A_462 = arith.constant 0 : i32
    %dma_wait3A_463 = tpu.memref_slice %arg2[%dma_wait3A_462] : memref<4194304xf32, #tpu.memory_space<hbm>> -> memref<4096xf32, #tpu.memory_space<hbm>>
    %dma_wait3A_464 = arith.constant 0 : i32
    %dma_wait3A_465 = tpu.memref_slice %arg2[%dma_wait3A_464] : memref<4194304xf32, #tpu.memory_space<hbm>> -> memref<4096xf32, #tpu.memory_space<hbm>>
    tpu.wait_dma2 semaphore(%arg23 : memref<!tpu.dma_semaphore, #tpu.memory_space<semaphore_mem>>) src(%dma_wait3A_465 : memref<4096xf32, #tpu.memory_space<hbm>>) dst(%arg10 : memref<4096xf32, #tpu.memory_space<vmem>>)
    %dma_wait3A_466 = arith.constant 0 : i32
    %dma_wait3A_467 = tpu.memref_slice %arg2[%dma_wait3A_466] : memref<4194304xf32, #tpu.memory_space<hbm>> -> memref<4096xf32, #tpu.memory_space<hbm>>
    %dma_wait3A_468 = arith.constant 0 : i32
    %dma_wait3A_469 = tpu.memref_slice %arg2[%dma_wait3A_468] : memref<4194304xf32, #tpu.memory_space<hbm>> -> memref<4096xf32, #tpu.memory_space<hbm>>
    tpu.wait_dma2 semaphore(%arg23 : memref<!tpu.dma_semaphore, #tpu.memory_space<semaphore_mem>>) src(%dma_wait3A_469 : memref<4096xf32, #tpu.memory_space<hbm>>) dst(%arg10 : memref<4096xf32, #tpu.memory_space<vmem>>)
    %dma_wait3A_470 = arith.constant 0 : i32
    %dma_wait3A_471 = tpu.memref_slice %arg2[%dma_wait3A_470] : memref<4194304xf32, #tpu.memory_space<hbm>> -> memref<4096xf32, #tpu.memory_space<hbm>>
    %dma_wait3A_472 = arith.constant 0 : i32
    %dma_wait3A_473 = tpu.memref_slice %arg2[%dma_wait3A_472] : memref<4194304xf32, #tpu.memory_space<hbm>> -> memref<4096xf32, #tpu.memory_space<hbm>>
    tpu.wait_dma2 semaphore(%arg23 : memref<!tpu.dma_semaphore, #tpu.memory_space<semaphore_mem>>) src(%dma_wait3A_473 : memref<4096xf32, #tpu.memory_space<hbm>>) dst(%arg10 : memref<4096xf32, #tpu.memory_space<vmem>>)
    %dma_wait3A_474 = arith.constant 0 : i32
    %dma_wait3A_475 = tpu.memref_slice %arg20[%dma_wait3A_474] : memref<1048576xf32, #tpu.memory_space<vmem_shared>> -> memref<1048576xf32, #tpu.memory_space<vmem_shared>>
    tpu.wait_indirect_dma semaphore(%arg25 : memref<!tpu.dma_semaphore, #tpu.memory_space<semaphore_mem>>) src(%dma_wait3A_475 : memref<1048576xf32, #tpu.memory_space<vmem_shared>>) dst(%arg9 : memref<4096xf32, #tpu.memory_space<vmem>>)
    %dma_wait3A_476 = arith.constant 0 : i32
    %dma_wait3A_477 = tpu.memref_slice %arg5[%dma_wait3A_476] : memref<4194304xi32, #tpu.memory_space<hbm>> -> memref<4096xi32, #tpu.memory_space<hbm>>
    %dma_wait3A_478 = arith.constant 0 : i32
    %dma_wait3A_479 = tpu.memref_slice %arg5[%dma_wait3A_478] : memref<4194304xi32, #tpu.memory_space<hbm>> -> memref<4096xi32, #tpu.memory_space<hbm>>
    tpu.wait_dma2 semaphore(%arg22 : memref<!tpu.dma_semaphore, #tpu.memory_space<semaphore_mem>>) src(%dma_wait3A_479 : memref<4096xi32, #tpu.memory_space<hbm>>) dst(%arg14 : memref<4096xi32, #tpu.memory_space<vmem>>)
    %dma_wait3A_480 = arith.constant 0 : i32
    %dma_wait3A_481 = tpu.memref_slice %arg7[%dma_wait3A_480] : memref<4194304xf32, #tpu.memory_space<hbm>> -> memref<4096xf32, #tpu.memory_space<hbm>>
    %dma_wait3A_482 = arith.constant 0 : i32
    %dma_wait3A_483 = tpu.memref_slice %arg7[%dma_wait3A_482] : memref<4194304xf32, #tpu.memory_space<hbm>> -> memref<4096xf32, #tpu.memory_space<hbm>>
    tpu.wait_dma2 semaphore(%arg27 : memref<!tpu.dma_semaphore, #tpu.memory_space<semaphore_mem>>) src(%arg13 : memref<4096xf32, #tpu.memory_space<vmem>>) dst(%dma_wait3A_483 : memref<4096xf32, #tpu.memory_space<hbm>>)
    %dma_wait3A_484 = arith.constant 0 : i32
    %dma_wait3A_485 = tpu.memref_slice %arg7[%dma_wait3A_484] : memref<4194304xf32, #tpu.memory_space<hbm>> -> memref<4096xf32, #tpu.memory_space<hbm>>
    %dma_wait3A_486 = arith.constant 0 : i32
    %dma_wait3A_487 = tpu.memref_slice %arg7[%dma_wait3A_486] : memref<4194304xf32, #tpu.memory_space<hbm>> -> memref<4096xf32, #tpu.memory_space<hbm>>
    tpu.wait_dma2 semaphore(%arg28 : memref<!tpu.dma_semaphore, #tpu.memory_space<semaphore_mem>>) src(%arg19 : memref<4096xf32, #tpu.memory_space<vmem>>) dst(%dma_wait3A_487 : memref<4096xf32, #tpu.memory_space<hbm>>)
    return
  }
}

</mosaic_0001>

<sc_bundles>
// kernel: kernel.3.cloned.1.call-start
scs
__scs_entry_jumppad:
0x0: {  	(pc) =	sbr.rel $0x88, $3  }
0x1: {  	(tag) =	ssettag $0x0;
	lr =	simm.s32 $0x1  }
0x2: {  	[smem:$0x3F9C] =	sst lr;
	_ =	strace $0xD0000000  }
0x3: {  	_ = 	snop  }
0x4: {  	_ = 	snop  }
0x5: {  	_ = 	snop  }
0x6: {  	_ = 	snop  }
0x7: {  	_ = 	snop  }
__scs_overlays_trampoline_lowered:
0x8: {  	[smem:$0x3FAB] =	sst s0  }
0x9: {  	[smem:$0x3FAC] =	sst s1  }
0xa: {  	[smem:$0x3FAD] =	sst s2  }
0xb: {  	[smem:$0x3FAE] =	sst s3  }
0xc: {  	[smem:$0x3FAF] =	sst s4  }
0xd: {  	[smem:$0x3FB0] =	sst s5  }
0xe: {  	[smem:$0x3FB1] =	sst s6  }
0xf: {  	[smem:$0x3FB2] =	sst s7  }
0x10: {  	[smem:$0x3FB3] =	sst s8  }
0x11: {  	[smem:$0x3FB4] =	sst s9;
	s0 =	simm.s32 @!p0 $0x0  }
0x12: {  	s1 =	sld [smem:$0x3F9A];
	s0 =	simm.s32 @p0 $0x1  }
0x13: {  	[smem:$0x3FB5] =	sst s0;
	s0 =	simm.s32 @!p1 $0x0  }
0x14: {  	s2 =	sld [smem:$0x3F99];
	s0 =	simm.s32 @p1 $0x1  }
0x15: {  	[smem:$0x3FB6] =	sst s0;
	s0 =	simm.s32 @!p2 $0x0  }
0x16: {  	s3 =	sld [smem:$0x3FDB];
	s0 =	simm.s32 @p2 $0x1  }
0x17: {  	s4 =	simm.s32 $0x1BF5;
	[smem:$0x3FB8] =	sst s0  }
0x18: {  	s0 =	sld [smem:$0x3F9B];
	_ =	swait.ge [sflag:s4], $0x0  }
0x19: {  	s7 =	sld [smem:$0x3F9C]  }
0x1a: {  	s8 =	sadd.s32 $0xFFFFE003, lr  }
0x1b: {  	s9 =	sadd.s32 $0xFFFFFEF7, lr;
	s5 =	simm.s32 $0xFFFFFFFF;
	p2 =	slt.u32 s8, $0xFFFFF086  }
0x1c: {  	p1 =	slt.u32 s9, $0xF7A;
	s5 =	simm.s32 @!p2 $0x0  }
0x1d: {  	s5 =	simm.s32 @p1 $0x1;
	p0 =	seq.s32 s7, s2  }
0x1e: {  	s7 =	smul.u32 @!p0 $0xF7A, s2;
	p2 =	seq.s32 @!p0 s5, $0x0  }
0x1f: {  	s9 =	smul.u32 $0xF7A, s1;
	s8 =	simm.s32 @!p0 $0x1BF5;
	p2 =	por !p2, p0  }
0x20: {  	[sflag:s8] =	ssyncset.s32 @!p0 $0xFFFFF086;
	s6 =	sadd.s32 @!p0 s3, s7;
	s7 =	simm.s32 @!p0 $0x108  }
0x21: {  	s3 =	sadd.s32 s3, s9;
	s6 =	sadd.s32 @!p0 $0x88, s6;
	s7 =	simm.s32 @p2 $0x1082  }
0x22: {  	[simem:s7], [sflag:s8] =	dma.local @!p0 [hbm:s6], $0xF7A  }
0x23: {  	s9 =	sor.u32 $0xD0000000, s2;
	s6 =	simm.s32 $0x108;
	_ =	swait.ge @!p0 [sflag:s8], $0x0  }
0x24: {  	s3 =	sadd.s32 $0x88, s3;
	s6 =	simm.s32 @!p1 $0x1082;
	[sflag:s4] =	ssyncset.s32 $0xFFFFF086  }
0x25: {  	[simem:s6], [sflag:s4] =	dma.local [hbm:s3], $0xF7A  }
0x26: {  	[smem:$0x3F9C] =	sst s1;
	(tag) =	ssettag s2;
	_ =	strace s9  }
0x27: {  	s1 =	sld [smem:$0x3FAC]  }
0x28: {  	s2 =	sld [smem:$0x3FAD]  }
0x29: {  	s4 =	sld [smem:$0x3FAF]  }
0x2a: {  	p0 =	seq.s32 s5, $0x0;
	s5 =	sld [smem:$0x3FB0]  }
0x2b: {  	s6 =	sld [smem:$0x3FB1]  }
0x2c: {  	s7 =	sld [smem:$0x3FB2]  }
0x2d: {  	s3 =	simm.s32 $0x108;
	s8 =	sld [smem:$0x3FB3]  }
0x2e: {  	s3 =	simm.s32 @!p0 $0x1082;
	s9 =	sld [smem:$0x3FB4]  }
0x2f: {  	lr =	sadd.s32 s0, s3;
	s0 =	sld [smem:$0x3FAB]  }
0x30: {  	s3 =	sld [smem:$0x3FAE]  }
0x31: {  	[smem:$0x3FB7] =	sst s10  }
0x32: {  	s10 =	sld [smem:$0x3FB5];
	_ =	sdelay $0x3  }
0x33: {  	p0 =	seq.s32 s10, $0x1;
	s10 =	sld [smem:$0x3FB7];
	_ =	sdelay $0x3  }
0x34: {  	[smem:$0x3FB7] =	sst s10  }
0x35: {  	s10 =	sld [smem:$0x3FB6];
	_ =	sdelay $0x3  }
0x36: {  	p1 =	seq.s32 s10, $0x1;
	s10 =	sld [smem:$0x3FB7];
	_ =	sdelay $0x3  }
0x37: {  	[smem:$0x3FB7] =	sst s10  }
0x38: {  	s10 =	sld [smem:$0x3FB8]  }
0x39: {  	_ = 	snop;
	(pc) =	sbr.ind lr, $3  }
0x3a: {  	_ = 	snop  }
0x3b: {  	_ = 	snop  }
0x3c: {  	p2 =	seq.s32 s10, $0x1;
	s10 =	sld [smem:$0x3FB7]  }
0x3d: {  	_ =	shalt  }
0x3e: {  	_ =	shalt  }
0x3f: {  	_ =	shalt  }
0x40: {  	_ =	shalt  }
0x41: {  	_ =	shalt  }
0x42: {  	_ =	shalt  }
0x43: {  	_ =	shalt  }
0x44: {  	_ =	shalt  }
0x45: {  	_ =	shalt  }
0x46: {  	_ =	shalt  }
0x47: {  	_ =	shalt  }
0x48: {  	_ =	shalt  }
0x49: {  	_ =	shalt  }
0x4a: {  	_ =	shalt  }
0x4b: {  	_ =	shalt  }
0x4c: {  	_ =	shalt  }
0x4d: {  	_ =	shalt  }
0x4e: {  	_ =	shalt  }
0x4f: {  	_ =	shalt  }
0x50: {  	_ =	shalt  }
0x51: {  	_ =	shalt  }
0x52: {  	_ =	shalt  }
0x53: {  	_ =	shalt  }
0x54: {  	_ =	shalt  }
0x55: {  	_ =	shalt  }
0x56: {  	_ =	shalt  }
0x57: {  	_ =	shalt  }
0x58: {  	_ =	shalt  }
0x59: {  	_ =	shalt  }
0x5a: {  	_ =	shalt  }
0x5b: {  	_ =	shalt  }
0x5c: {  	_ =	shalt  }
0x5d: {  	_ =	shalt  }
0x5e: {  	_ =	shalt  }
0x5f: {  	_ =	shalt  }
0x60: {  	_ =	shalt  }
0x61: {  	_ =	shalt  }
0x62: {  	_ =	shalt  }
0x63: {  	_ =	shalt  }
0x64: {  	_ =	shalt  }
0x65: {  	_ =	shalt  }
0x66: {  	_ =	shalt  }
0x67: {  	_ =	shalt  }
0x68: {  	_ =	shalt  }
0x69: {  	_ =	shalt  }
0x6a: {  	_ =	shalt  }
0x6b: {  	_ =	shalt  }
0x6c: {  	_ =	shalt  }
0x6d: {  	_ =	shalt  }
0x6e: {  	_ =	shalt  }
0x6f: {  	_ =	shalt  }
0x70: {  	_ =	shalt  }
0x71: {  	_ =	shalt  }
0x72: {  	_ =	shalt  }
0x73: {  	_ =	shalt  }
0x74: {  	_ =	shalt  }
0x75: {  	_ =	shalt  }
0x76: {  	_ =	shalt  }
0x77: {  	_ =	shalt  }
0x78: {  	_ =	shalt  }
0x79: {  	_ =	shalt  }
0x7a: {  	_ =	shalt  }
0x7b: {  	_ =	shalt  }
0x7c: {  	_ =	shalt  }
0x7d: {  	_ =	shalt  }
0x7e: {  	_ =	shalt  }
0x7f: {  	_ =	shalt  }
0x80: {  	_ =	shalt  }
0x81: {  	_ =	shalt  }
0x82: {  	_ =	shalt  }
0x83: {  	_ =	shalt  }
0x84: {  	_ =	shalt  }
0x85: {  	_ =	shalt  }
0x86: {  	_ =	shalt  }
0x87: {  	_ =	shalt  }
.Lfunc_end0:
.L_simem_size_0:
called_computation_lowered:
.L_overlay_start_0:
0x88: {  	s2 =	sld [smem:$0x3FD9]  }
0x89: {  	s3 =	sld [smem:$0x3FFE];
	_ =	sdelay $0x1  }
0x8a: {  	s1 =	srdreg.scid  }
0x8b: {  	s0 =	sand.u32 $0x1, s1  }
0x8c: {  	s17 =	sshll.u32 s0, $0xA;
	s2 =	sadd.s32 s3, s2  }
0x8d: {  	s2 =	sadd.s32 s2, s17  }
0x8e: {  	[smem:$0x3FC3] =	sst s2  }
0x8f: {  	_ = 	snop  }
0x90: {  	s2 =	sld [smem:$0x3FC9]  }
0x91: {  	s18 =	sld [smem:$0x3FC8]  }
0x92: {  	s4 =	sld [smem:$0x3FC7]  }
0x93: {  	s5 =	sld [smem:$0x3FC6]  }
0x94: {  	s6 =	sld [smem:$0x3FD0];
	(tm) =	ssettm $0x1  }
0x95: {  	s7 =	sld [smem:$0x3FFB];
	_ =	sdelay $0x3  }
0x96: {  	_ =	strace s7  }
0x97: {  	s7 =	sld [smem:$0x3FFC];
	_ =	sdelay $0x3  }
0x98: {  	_ =	strace s7  }
0x99: {  	s7 =	sld [smem:$0x3FFD];
	_ =	sdelay $0x3  }
0x9a: {  	_ =	strace s7  }
0x9b: {  	_ =	strace $0x8FFFFFFF  }
0x9c: {  	s19 =	sld [smem:$0x3FDB];
	_ =	sdelay $0x1  }
0x9d: {  	s8 =	simm.s32 $_scs_section_size  }
0x9e: {  	s9 =	simm.s32 $_size__tile_overlayer_lowered;
	s10 =	simm.s32 $_tile_overlayer_lowered  }
0x9f: {  	s22 =	simm.s32 $0x1BFF;
	s21 =	sshll.u32 s10, $0x1;
	s7 =	sadd.s32 s8, s19  }
0xa0: {  	s11 =	simm.s32 $0x0;
	s20 =	sshll.u32 s9, $0x1;
	s9 =	sadd.s32 s21, s7  }
0xa1: {  	[timem:s11], [sflag:s22] =	dma.local [hbm:s9], s20  }
0xa2: {  	_ =	swait.ge [sflag:s22], s20  }
0xa3: {  	s8 =	ssub.s32 $0x0, s20;
	[sflag:s22] =	ssyncset.done $0x0  }
0xa4: {  	[sflag:s22] =	ssyncadd.s32 s8;
	_ =	sdelay $0x1  }
0xa5: {  	s23 =	simm.s32 $0x1B8B  }
0xa6: {  	_ =	swait.ge [sflag:s23], $0x1  }
0xa7: {  	[sflag:s23] =	ssyncset.done $0x0  }
0xa8: {  	s25 =	simm.s32 $0x1B8E;
	s24 =	sld [smem:$0x3FFE];
	[sflag:s23] =	ssyncadd.s32 $0xFFFFFFFF  }
0xa9: {  	s26 =	simm.s32 $execute0_lowered;
	[smem:$0x3FD2] =	sst s25  }
0xaa: {  	s9 =	sshll.u32 s26, $0x1;
	_ =	strace $0x80000046;
	[dreg:$0x1] =	wrdreg $0xFFFFFFFF  }
0xab: {  	s28 =	simm.s32 $_size_execute0_lowered;
	s7 =	sadd.s32 s7, s9;
	[dreg:$0x0] =	wrdreg $0x0  }
0xac: {  	s9 =	sshll.u32 s28, $0x1;
	[dreg:$0x2] =	wrdreg s7  }
0xad: {  	[dreg:$0x3] =	wrdreg s9  }
0xae: {  	[dreg:$0x4] =	wrdreg $0xC0  }
0xaf: {  	_ =	task [dreg:s11], $0x5FFFF  }
0xb0: {  	[dreg:$0x1] =	wrdreg $0xFFFFFFFF  }
0xb1: {  	[dreg:$0x0] =	wrdreg $0x60  }
0xb2: {  	[dreg:$0x2] =	wrdreg s2  }
0xb3: {  	[dreg:$0x3] =	wrdreg s18  }
0xb4: {  	[dreg:$0x4] =	wrdreg s4  }
0xb5: {  	[dreg:$0x5] =	wrdreg s5  }
0xb6: {  	[dreg:$0x6] =	wrdreg s24  }
0xb7: {  	[dreg:$0x7] =	wrdreg s6  }
0xb8: {  	[dreg:$0x8] =	wrdreg $0xC0000  }
0xb9: {  	[dreg:$0x9] =	wrdreg $0x9  }
0xba: {  	_ =	task.clear_ibuf [dreg:s11], $0xAFFFF;
	_ =	strace $0x90000046  }
0xbb: {  	s29 =	simm.s32 $0x9;
	_ =	strace $0x80000048  }
0xbc: {  	_ =	swait.ge [sflag:s29], $0x1  }
0xbd: {  	[sflag:s29] =	ssyncadd.s32 $0xFFFFFFFF  }
0xbe: {  	_ =	strace $0x90000048  }
0xbf: {  	_ =	sfence  }
0xc0: {  	s30 =	sld [smem:$0x0];
	_ =	sdelay $0x2  }
0xc1: {  	s31 =	sshll.u32 s1, $0xD;
	s1 =	sshrl.u32 s1, $0x2  }
0xc2: {  	s3 =	sand.u32 $0x4000, s31;
	s1 =	sadd.s32 s1, s30  }
0xc3: {  	s0 =	sor.u32 s3, s0;
	s1 =	sshll.u32 s1, $0x11  }
0xc4: {  	s0 =	sor.u32 s1, s0  }
0xc5: {  	s0 =	sadd.s32 $0x8F2B, s0  }
0xc6: {  	[sflag:s0] =	ssyncadd.remote.s32 $0x1  }
0xc7: {  	_ =	sfence.sel $0xFFFF  }
0xc8: {  	[dreg:$0x0] =	wrdreg $0xFFFFFFFF;
	(pc) =	sbr.abs _section_cstart, $3  }
0xc9: {  	[dreg:$0x1] =	wrdreg $0xFFFFFFFF  }
0xca: {  	_ =	task.clear_ibuf [dreg:s11], $0x2FFFF;
	_ =	strace $0x9FFFFFFF  }
0xcb: {  	(tm) =	ssettm $0x7FFFFFFF  }
tec
execute0_lowered:
.L_overlay_start_1:
0x0: {  	(tag) =	ssettag $0x1  }
0x1: {  	s1 =	srdreg.scid;
	s2 =	rddreg [dreg:$0x4];
	s0 =	simm.s32 $0x0  }
0x2: {  	s5 =	stileid.u32;
	s29 =	rddreg [dreg:$0x1];
	s3 =	sand.u32 $0x1, s1  }
0x3: {  	[smem:$0x7FF] =	sst s0;
	s2 =	sadd.s32 $0x400, s2;
	s23 =	sshll.u32 s5, $0x12  }
0x4: {  	s24 =	sshll.u32 s5, $0xD;
	s1 =	ssub.s32 $0x2, s3;
	s3 =	sshll.u32 s3, $0x11  }
0x5: {  	s4 =	sshrl.u32 s1, $0x1;
	s28 =	sor.u32 s3, s23;
	s3 =	sshll.u32 s5, $0x10  }
0x6: {  	s1 =	ssub.s32 s1, s4;
	s4 =	sadd.s32 s2, s24;
	s5 =	sor.u32 $0x2000, s3  }
0x7: {  	s8 =	sor.u32 $0x3000, s3;
	s18 =	sor.u32 $0x8000, s3;
	s14 =	sor.u32 $0x9000, s3  }
0x8: {  	s15 =	sor.u32 $0xB000, s3;
	[dreg:$0x8] =	wrdreg s4;
	s4 =	sor.u32 $0x1000, s3  }
0x9: {  	s7 =	sshrl.u32 s5, $0x3;
	s26 =	sshrl.u32 s8, $0x3;
	s13 =	sshrl.u32 s18, $0x3  }
0xa: {  	s25 =	sadd.s32 s2, s7;
	s20 =	sadd.s32 s2, s13;
	s13 =	rddreg [dreg:$0x0]  }
0xb: {  	s17 =	sshrl.u32 s15, $0x3;
	s6 =	sshrl.u32 s4, $0x3;
	[dreg:$0xa] =	wrdreg s25  }
0xc: {  	s7 =	sor.u32 $0x5000, s3;
	s22 =	sadd.s32 s2, s17;
	[dreg:$0x10] =	wrdreg s20  }
0xd: {  	s6 =	sadd.s32 s2, s6;
	s10 =	sshrl.u32 s7, $0x3;
	[dreg:$0x13] =	wrdreg s22  }
0xe: {  	s20 =	sor.u32 $0xD000, s3;
	[dreg:$0x9] =	wrdreg s6;
	s6 =	sadd.s32 s2, s26  }
0xf: {  	s30 =	sadd.s32 s2, s10;
	s10 =	sor.u32 $0x7000, s3;
	[dreg:$0xb] =	wrdreg s6  }
0x10: {  	s22 =	sshrl.u32 s20, $0x3;
	s6 =	sor.u32 $0x4000, s3;
	[dreg:$0xd] =	wrdreg s30  }
0x11: {  	s12 =	sshrl.u32 s10, $0x3;
	s30 =	rddreg [dreg:$0x2];
	s24 =	sadd.s32 s2, s22  }
0x12: {  	s9 =	sshrl.u32 s6, $0x3;
	s12 =	sadd.s32 s2, s12;
	[dreg:$0x15] =	wrdreg s24  }
0x13: {  	s21 =	sshrl.u32 s14, $0x3;
	s9 =	sadd.s32 s2, s9;
	[dreg:$0xf] =	wrdreg s12  }
0x14: {  	s11 =	sor.u32 $0x6000, s3;
	s12 =	sadd.s32 s2, s21;
	[dreg:$0xc] =	wrdreg s9  }
0x15: {  	s19 =	sor.u32 $0xC000, s3;
	s31 =	sshrl.u32 s11, $0x3;
	[dreg:$0x11] =	wrdreg s12  }
0x16: {  	s21 =	sshrl.u32 s19, $0x3;
	s9 =	sadd.s32 s2, s31;
	s31 =	rddreg [dreg:$0x5]  }
0x17: {  	s12 =	sor.u32 $0xA000, s3;
	s23 =	sadd.s32 s2, s21;
	[dreg:$0xe] =	wrdreg s9  }
0x18: {  	s16 =	sshrl.u32 s12, $0x3;
	[dreg:$0x14] =	wrdreg s23  }
0x19: {  	s21 =	sor.u32 $0xE000, s3;
	s23 =	rddreg [dreg:$0x6];
	s16 =	sadd.s32 s2, s16  }
0x1a: {  	s24 =	sor.u32 $0xF000, s3;
	s25 =	sshrl.u32 s21, $0x3;
	[dreg:$0x12] =	wrdreg s16  }
0x1b: {  	s26 =	sshrl.u32 s24, $0x3;
	s25 =	sadd.s32 s2, s25;
	s16 =	rddreg [dreg:$0x3]  }
0x1c: {  	s2 =	sadd.s32 s2, s26;
	[dreg:$0x16] =	wrdreg s25  }
0x1d: {  	s26 =	sadd.s32 s3, s23;
	[dreg:$0x17] =	wrdreg s2  }
0x1e: {  	s3 =	sadd.s32 s4, s23;
	_ =	strace $0x80000047;
	[dreg:$0x18] =	wrdreg s26  }
0x1f: {  	s4 =	sadd.s32 s5, s23;
	[dreg:$0x19] =	wrdreg s3  }
0x20: {  	s5 =	sadd.s32 s8, s23;
	[dreg:$0x1a] =	wrdreg s4  }
0x21: {  	s6 =	sadd.s32 s6, s23;
	[dreg:$0x1b] =	wrdreg s5  }
0x22: {  	s8 =	sadd.s32 s7, s23;
	[dreg:$0x1c] =	wrdreg s6  }
0x23: {  	s11 =	sadd.s32 s11, s23;
	[dreg:$0x1d] =	wrdreg s8  }
0x24: {  	s17 =	sadd.s32 s10, s23;
	[dreg:$0x1e] =	wrdreg s11  }
0x25: {  	s18 =	sadd.s32 s18, s23;
	[dreg:$0x1f] =	wrdreg s17  }
0x26: {  	s22 =	sadd.s32 s14, s23;
	[smem:$0x7E5] =	sst s18  }
0x27: {  	s25 =	sadd.s32 s12, s23;
	[smem:$0x7E6] =	sst s22  }
0x28: {  	s7 =	sadd.s32 s24, s23;
	[smem:$0x7E7] =	sst s25  }
0x29: {  	s1 =	smax.u32 s1, $0x1;
	[smem:$0x7EC] =	sst s7  }
0x2a: {  	s26 =	sadd.s32 s15, s23;
	[smem:$0x7FA] =	sst s1  }
0x2b: {  	s3 =	sadd.s32 s19, s23;
	[smem:$0x7E8] =	sst s26  }
0x2c: {  	s4 =	sadd.s32 s20, s23;
	[smem:$0x7E9] =	sst s3  }
0x2d: {  	s5 =	sshrl.u32 s28, $0x3;
	s6 =	sadd.s32 s21, s23;
	[smem:$0x7EA] =	sst s4  }
0x2e: {  	s22 =	smov.u32 s16;
	[smem:$0x7EB] =	sst s6;
	s10 =	sadd.s32 s13, s5  }
0x2f: {  	s7 =	sor.u32 $0x3000, s28;
	s11 =	sadd.s32 s29, s5;
	[smem:$0x7ED] =	sst s10  }
0x30: {  	s1 =	simm.s32 $0x5;
	s12 =	sadd.s32 s30, s5;
	[smem:$0x7EE] =	sst s11  }
0x31: {  	s8 =	sadd.s32 s16, s5;
	s2 =	sadd.s32 s31, s5;
	[smem:$0x7EF] =	sst s12  }
0x32: {  	s9 =	sor.u32 $0x200, s5;
	s14 =	sor.u32 $0x400, s5;
	[smem:$0x7F0] =	sst s2  }
0x33: {  	s5 =	smov.u32 s31;
	s15 =	sadd.s32 s16, s14;
	[smem:$0x7FB] =	sst s8  }
0x34: {  	s6 =	sor.u32 $0x2000, s28;
	s17 =	sadd.s32 s13, s14;
	[smem:$0x7F1] =	sst s15  }
0x35: {  	s3 =	simm.s32 $0x4;
	s18 =	sadd.s32 s29, s14;
	[smem:$0x7F2] =	sst s17  }
0x36: {  	s4 =	simm.s32 $0x6;
	s19 =	sadd.s32 s30, s14;
	[smem:$0x7F3] =	sst s18  }
0x37: {  	s20 =	sadd.s32 s16, s9;
	s16 =	smov.u32 s13;
	[smem:$0x7F4] =	sst s19  }
0x38: {  	s21 =	sadd.s32 s13, s9;
	s24 =	sadd.s32 s29, s9;
	[smem:$0x7F5] =	sst s20  }
0x39: {  	s25 =	sadd.s32 s30, s9;
	s26 =	sadd.s32 s31, s9;
	[smem:$0x7F6] =	sst s21  }
0x3a: {  	s31 =	sor.u32 $0x1000, s28;
	s13 =	smov.u32 s28;
	[smem:$0x7F7] =	sst s24  }
0x3b: {  	s28 =	simm.s32 $0x2;
	s12 =	simm.s32 $0x7;
	[smem:$0x7F8] =	sst s25  }
0x3c: {  	s9 =	simm.s32 $0x0;
	s17 =	smov.u32 s29;
	[smem:$0x7F9] =	sst s26  }
0x3d: {  	s18 =	smov.u32 s30;
	s30 =	sadd.s32 $0x600, s8;
	[smem:$0x7FD] =	sst s31  }
0x3e: {  	s8 =	simm.s32 $0x6000;
	s25 =	simm.s32 $0x1;
	s26 =	simm.s32 $0x1000  }
0x3f: {  	s19 =	simm.s32 $0x3;
	s29 =	simm.s32 $0x8;
	[smem:$0x7FC] =	sst s30  }
.LBB2_1:
0x40: {  	s2 =	sld [smem:$0x7FB]  }
0x41: {  	[smem:$0x7E4] =	sst s9  }
0x42: {  	s24 =	sld [smem:$0x7F5]  }
0x43: {  	[tilespmem:s0], [sflag:$0x1] =	stream.linear.gather [hbm4b:s2+s0], $0x1000, $0x38;
	[tilespmem:$0x1C000] =	vst v63  }
0x44: {  	s30 =	sld [smem:$0x7ED]  }
0x45: {  	[tilespmem:s8], [sflag:$0x2] =	stream.linear.gather [hbm4b:s24+s0], $0x1000, $0x38;
	[tilespmem:$0x1C000] =	vst v63  }
0x46: {  	s31 =	simm.s32 $0x2000;
	s9 =	sld [smem:$0x7EE]  }
0x47: {  	[tilespmem:s31], [sflag:$0x3] =	stream.linear.gather [hbm4b:s30+s0], $0x1000, $0x38;
	[tilespmem:$0x1C000] =	vst v63  }
0x48: {  	s10 =	simm.s32 $0x3000  }
0x49: {  	[tilespmem:s10], [sflag:$0x3] =	stream.linear.gather [hbm4b:s9+s0], $0x1000, $0x38;
	[tilespmem:$0x1C000] =	vst v63  }
0x4a: {  	s11 =	rddreg [dreg:$0x8];
	s9 =	simm.s32 $0x5000  }
0x4b: {  	[tilespmem:s9], [sflag:$0x9] =	stream.linear.gather [hbm4b:s11+s0], $0x1000, $0x38;
	[tilespmem:$0x1C000] =	vst v63  }
0x4c: {  	s14 =	rddreg [dreg:$0x9];
	s10 =	simm.s32 $0xB000  }
0x4d: {  	[tilespmem:s10], [sflag:$0x9] =	stream.linear.gather [hbm4b:s14+s0], $0x1000, $0x38;
	[tilespmem:$0x1C000] =	vst v63  }
0x4e: {  	s15 =	rddreg [dreg:$0xa];
	s11 =	simm.s32 $0x4000  }
0x4f: {  	[tilespmem:s11], [sflag:$0x9] =	stream.linear.gather [hbm4b:s15+s0], $0x1000, $0x38;
	[tilespmem:$0x1C000] =	vst v63  }
0x50: {  	s20 =	rddreg [dreg:$0xb];
	s14 =	simm.s32 $0xA000;
	s15 =	simm.s32 $0x9  }
0x51: {  	[tilespmem:s14], [sflag:$0x9] =	stream.linear.gather [hbm4b:s20+s0], $0x1000, $0x38;
	[tilespmem:$0x1C000] =	vst v63  }
0x52: {  	_ =	swait.ge [sflag:s15], $0x1000  }
0x53: {  	[sflag:s15] =	ssyncset.done $0x0  }
0x54: {  	s20 =	simm.s32 $0xA;
	s21 =	rddreg [dreg:$0x18];
	[sflag:s15] =	ssyncadd.s32 $0xFFFFF000  }
0x55: {  	[spmem:s21] =	stream.linear.scatter [tilespmem:s9], [sflag:$0xA], $0x1000, $0x38;
	[tilespmem:$0x1C000] =	vst v63  }
0x56: {  	_ =	swait.ge [sflag:s20], $0x1000  }
0x57: {  	[sflag:s20] =	ssyncset.done $0x0  }
0x58: {  	s24 =	rddreg [dreg:$0xc];
	[sflag:s20] =	ssyncadd.s32 $0xFFFFF000  }
0x59: {  	[tilespmem:s9], [sflag:$0x9] =	stream.linear.gather [hbm4b:s24+s0], $0x1000, $0x38;
	[tilespmem:$0x1C000] =	vst v63  }
0x5a: {  	_ =	swait.ge [sflag:s15], $0x1000  }
0x5b: {  	[sflag:s15] =	ssyncset.done $0x0  }
0x5c: {  	s30 =	rddreg [dreg:$0x19];
	[sflag:s15] =	ssyncadd.s32 $0xFFFFF000  }
0x5d: {  	[spmem:s30] =	stream.linear.scatter [tilespmem:s10], [sflag:$0xA], $0x1000, $0x38;
	[tilespmem:$0x1C000] =	vst v63  }
0x5e: {  	_ =	swait.ge [sflag:s20], $0x1000  }
0x5f: {  	[sflag:s20] =	ssyncset.done $0x0  }
0x60: {  	s31 =	rddreg [dreg:$0xd];
	[sflag:s20] =	ssyncadd.s32 $0xFFFFF000  }
0x61: {  	[tilespmem:s10], [sflag:$0x9] =	stream.linear.gather [hbm4b:s31+s0], $0x1000, $0x38;
	[tilespmem:$0x1C000] =	vst v63  }
0x62: {  	_ =	swait.ge [sflag:s15], $0x1000  }
0x63: {  	[sflag:s15] =	ssyncset.done $0x0  }
0x64: {  	s21 =	rddreg [dreg:$0x1a];
	[sflag:s15] =	ssyncadd.s32 $0xFFFFF000  }
0x65: {  	[spmem:s21] =	stream.linear.scatter [tilespmem:s11], [sflag:$0xA], $0x1000, $0x38;
	[tilespmem:$0x1C000] =	vst v63  }
0x66: {  	_ =	swait.ge [sflag:s20], $0x1000  }
0x67: {  	[sflag:s20] =	ssyncset.done $0x0  }
0x68: {  	s24 =	rddreg [dreg:$0xe];
	[sflag:s20] =	ssyncadd.s32 $0xFFFFF000  }
0x69: {  	[tilespmem:s11], [sflag:$0x9] =	stream.linear.gather [hbm4b:s24+s0], $0x1000, $0x38;
	[tilespmem:$0x1C000] =	vst v63  }
0x6a: {  	_ =	swait.ge [sflag:s15], $0x1000  }
0x6b: {  	[sflag:s15] =	ssyncset.done $0x0  }
0x6c: {  	s30 =	rddreg [dreg:$0x1b];
	[sflag:s15] =	ssyncadd.s32 $0xFFFFF000  }
0x6d: {  	[spmem:s30] =	stream.linear.scatter [tilespmem:s14], [sflag:$0xA], $0x1000, $0x38;
	[tilespmem:$0x1C000] =	vst v63  }
0x6e: {  	_ =	swait.ge [sflag:s20], $0x1000  }
0x6f: {  	[sflag:s20] =	ssyncset.done $0x0  }
0x70: {  	s31 =	rddreg [dreg:$0xf];
	[sflag:s20] =	ssyncadd.s32 $0xFFFFF000  }
0x71: {  	[tilespmem:s14], [sflag:$0x9] =	stream.linear.gather [hbm4b:s31+s0], $0x1000, $0x38;
	[tilespmem:$0x1C000] =	vst v63  }
0x72: {  	_ =	swait.ge [sflag:s15], $0x1000  }
0x73: {  	[sflag:s15] =	ssyncset.done $0x0  }
0x74: {  	s21 =	rddreg [dreg:$0x1c];
	[sflag:s15] =	ssyncadd.s32 $0xFFFFF000  }
0x75: {  	[spmem:s21] =	stream.linear.scatter [tilespmem:s9], [sflag:$0xA], $0x1000, $0x38;
	[tilespmem:$0x1C000] =	vst v63  }
0x76: {  	_ =	swait.ge [sflag:s20], $0x1000  }
0x77: {  	[sflag:s20] =	ssyncset.done $0x0  }
0x78: {  	s24 =	rddreg [dreg:$0x10];
	[sflag:s20] =	ssyncadd.s32 $0xFFFFF000  }
0x79: {  	[tilespmem:s9], [sflag:$0x9] =	stream.linear.gather [hbm4b:s24+s0], $0x1000, $0x38;
	[tilespmem:$0x1C000] =	vst v63  }
0x7a: {  	_ =	swait.ge [sflag:s15], $0x1000  }
0x7b: {  	[sflag:s15] =	ssyncset.done $0x0  }
0x7c: {  	s30 =	rddreg [dreg:$0x1d];
	[sflag:s15] =	ssyncadd.s32 $0xFFFFF000  }
0x7d: {  	[spmem:s30] =	stream.linear.scatter [tilespmem:s10], [sflag:$0xA], $0x1000, $0x38;
	[tilespmem:$0x1C000] =	vst v63  }
0x7e: {  	_ =	swait.ge [sflag:s20], $0x1000  }
0x7f: {  	[sflag:s20] =	ssyncset.done $0x0  }
0x80: {  	s31 =	rddreg [dreg:$0x11];
	[sflag:s20] =	ssyncadd.s32 $0xFFFFF000  }
0x81: {  	[tilespmem:s10], [sflag:$0x9] =	stream.linear.gather [hbm4b:s31+s0], $0x1000, $0x38;
	[tilespmem:$0x1C000] =	vst v63  }
0x82: {  	_ =	swait.ge [sflag:s15], $0x1000  }
0x83: {  	[sflag:s15] =	ssyncset.done $0x0  }
0x84: {  	s21 =	rddreg [dreg:$0x1e];
	[sflag:s15] =	ssyncadd.s32 $0xFFFFF000  }
0x85: {  	[spmem:s21] =	stream.linear.scatter [tilespmem:s11], [sflag:$0xA], $0x1000, $0x38;
	[tilespmem:$0x1C000] =	vst v63  }
0x86: {  	_ =	swait.ge [sflag:s20], $0x1000  }
0x87: {  	[sflag:s20] =	ssyncset.done $0x0  }
0x88: {  	s24 =	rddreg [dreg:$0x12];
	[sflag:s20] =	ssyncadd.s32 $0xFFFFF000  }
0x89: {  	[tilespmem:s11], [sflag:$0x9] =	stream.linear.gather [hbm4b:s24+s0], $0x1000, $0x38;
	[tilespmem:$0x1C000] =	vst v63  }
0x8a: {  	_ =	swait.ge [sflag:s15], $0x1000  }
0x8b: {  	[sflag:s15] =	ssyncset.done $0x0  }
0x8c: {  	s30 =	rddreg [dreg:$0x1f];
	[sflag:s15] =	ssyncadd.s32 $0xFFFFF000  }
0x8d: {  	[spmem:s30] =	stream.linear.scatter [tilespmem:s14], [sflag:$0xA], $0x1000, $0x38;
	[tilespmem:$0x1C000] =	vst v63  }
0x8e: {  	_ =	swait.ge [sflag:s20], $0x1000  }
0x8f: {  	[sflag:s20] =	ssyncset.done $0x0  }
0x90: {  	s31 =	rddreg [dreg:$0x13];
	[sflag:s20] =	ssyncadd.s32 $0xFFFFF000  }
0x91: {  	[tilespmem:s14], [sflag:$0x9] =	stream.linear.gather [hbm4b:s31+s0], $0x1000, $0x38;
	[tilespmem:$0x1C000] =	vst v63  }
0x92: {  	_ =	swait.ge [sflag:s15], $0x1000  }
0x93: {  	s21 =	sld [smem:$0x7E5]  }
0x94: {  	[sflag:s15] =	ssyncset.done $0x0  }
0x95: {  	[sflag:s15] =	ssyncadd.s32 $0xFFFFF000  }
0x96: {  	[spmem:s21] =	stream.linear.scatter [tilespmem:s9], [sflag:$0xA], $0x1000, $0x38;
	[tilespmem:$0x1C000] =	vst v63  }
0x97: {  	_ =	swait.ge [sflag:s20], $0x1000  }
0x98: {  	[sflag:s20] =	ssyncset.done $0x0  }
0x99: {  	s24 =	rddreg [dreg:$0x14];
	[sflag:s20] =	ssyncadd.s32 $0xFFFFF000  }
0x9a: {  	[tilespmem:s9], [sflag:$0x9] =	stream.linear.gather [hbm4b:s24+s0], $0x1000, $0x38;
	[tilespmem:$0x1C000] =	vst v63  }
0x9b: {  	_ =	swait.ge [sflag:s15], $0x1000  }
0x9c: {  	s30 =	sld [smem:$0x7E6]  }
0x9d: {  	[sflag:s15] =	ssyncset.done $0x0  }
0x9e: {  	[sflag:s15] =	ssyncadd.s32 $0xFFFFF000  }
0x9f: {  	[spmem:s30] =	stream.linear.scatter [tilespmem:s10], [sflag:$0xA], $0x1000, $0x38;
	[tilespmem:$0x1C000] =	vst v63  }
0xa0: {  	_ =	swait.ge [sflag:s20], $0x1000  }
0xa1: {  	[sflag:s20] =	ssyncset.done $0x0  }
0xa2: {  	s31 =	rddreg [dreg:$0x15];
	[sflag:s20] =	ssyncadd.s32 $0xFFFFF000  }
0xa3: {  	[tilespmem:s10], [sflag:$0x9] =	stream.linear.gather [hbm4b:s31+s0], $0x1000, $0x38;
	[tilespmem:$0x1C000] =	vst v63  }
0xa4: {  	_ =	swait.ge [sflag:s15], $0x1000  }
0xa5: {  	s21 =	sld [smem:$0x7E7]  }
0xa6: {  	[sflag:s15] =	ssyncset.done $0x0  }
0xa7: {  	[sflag:s15] =	ssyncadd.s32 $0xFFFFF000  }
0xa8: {  	[spmem:s21] =	stream.linear.scatter [tilespmem:s11], [sflag:$0xA], $0x1000, $0x38;
	[tilespmem:$0x1C000] =	vst v63  }
0xa9: {  	_ =	swait.ge [sflag:s20], $0x1000  }
0xaa: {  	[sflag:s20] =	ssyncset.done $0x0  }
0xab: {  	s24 =	rddreg [dreg:$0x16];
	[sflag:s20] =	ssyncadd.s32 $0xFFFFF000  }
0xac: {  	[tilespmem:s11], [sflag:$0x9] =	stream.linear.gather [hbm4b:s24+s0], $0x1000, $0x38;
	[tilespmem:$0x1C000] =	vst v63  }
0xad: {  	_ =	swait.ge [sflag:s15], $0x1000  }
0xae: {  	s30 =	sld [smem:$0x7E8]  }
0xaf: {  	[sflag:s15] =	ssyncset.done $0x0  }
0xb0: {  	[sflag:s15] =	ssyncadd.s32 $0xFFFFF000  }
0xb1: {  	[spmem:s30] =	stream.linear.scatter [tilespmem:s14], [sflag:$0xA], $0x1000, $0x38;
	[tilespmem:$0x1C000] =	vst v63  }
0xb2: {  	_ =	swait.ge [sflag:s20], $0x1000  }
0xb3: {  	[sflag:s20] =	ssyncset.done $0x0  }
0xb4: {  	s31 =	rddreg [dreg:$0x17];
	[sflag:s20] =	ssyncadd.s32 $0xFFFFF000  }
0xb5: {  	[tilespmem:s14], [sflag:$0x9] =	stream.linear.gather [hbm4b:s31+s0], $0x1000, $0x38;
	[tilespmem:$0x1C000] =	vst v63  }
0xb6: {  	_ =	swait.ge [sflag:s15], $0x1000  }
0xb7: {  	s21 =	sld [smem:$0x7E9]  }
0xb8: {  	[sflag:s15] =	ssyncset.done $0x0  }
0xb9: {  	[sflag:s15] =	ssyncadd.s32 $0xFFFFF000  }
0xba: {  	[spmem:s21] =	stream.linear.scatter [tilespmem:s9], [sflag:$0xA], $0x1000, $0x38;
	[tilespmem:$0x1C000] =	vst v63  }
0xbb: {  	_ =	swait.ge [sflag:s15], $0x1000  }
0xbc: {  	s24 =	sld [smem:$0x7EA]  }
0xbd: {  	[sflag:s15] =	ssyncset.done $0x0  }
0xbe: {  	[sflag:s15] =	ssyncadd.s32 $0xFFFFF000  }
0xbf: {  	[spmem:s24] =	stream.linear.scatter [tilespmem:s10], [sflag:$0xA], $0x1000, $0x38;
	[tilespmem:$0x1C000] =	vst v63  }
0xc0: {  	_ =	swait.ge [sflag:s15], $0x1000  }
0xc1: {  	s30 =	sld [smem:$0x7EB]  }
0xc2: {  	[sflag:s15] =	ssyncset.done $0x0  }
0xc3: {  	[sflag:s15] =	ssyncadd.s32 $0xFFFFF000  }
0xc4: {  	[spmem:s30] =	stream.linear.scatter [tilespmem:s11], [sflag:$0xA], $0x1000, $0x38;
	[tilespmem:$0x1C000] =	vst v63  }
0xc5: {  	_ =	swait.ge [sflag:s15], $0x1000  }
0xc6: {  	s31 =	sld [smem:$0x7EC]  }
0xc7: {  	[sflag:s15] =	ssyncset.done $0x0  }
0xc8: {  	[sflag:s15] =	ssyncadd.s32 $0xFFFFF000  }
0xc9: {  	[spmem:s31] =	stream.linear.scatter [tilespmem:s14], [sflag:$0xA], $0x1000, $0x38;
	[tilespmem:$0x1C000] =	vst v63  }
0xca: {  	_ =	swait.ge [sflag:s20], $0x1000  }
0xcb: {  	[sflag:s20] =	ssyncset.done $0x0  }
0xcc: {  	[sflag:s20] =	ssyncadd.s32 $0xFFFFF000  }
0xcd: {  	_ =	swait.ge [sflag:s20], $0x1000  }
0xce: {  	[sflag:s20] =	ssyncset.done $0x0  }
0xcf: {  	[sflag:s20] =	ssyncadd.s32 $0xFFFFF000  }
0xd0: {  	_ =	swait.ge [sflag:s20], $0x1000  }
0xd1: {  	[sflag:s20] =	ssyncset.done $0x0  }
0xd2: {  	[sflag:s20] =	ssyncadd.s32 $0xFFFFF000  }
0xd3: {  	_ =	swait.ge [sflag:s20], $0x1000  }
0xd4: {  	[sflag:s20] =	ssyncset.done $0x0  }
0xd5: {  	[sflag:s20] =	ssyncadd.s32 $0xFFFFF000  }
0xd6: {  	[bflag:$0x0] =	sbarrier.arrive $0xFFFF  }
0xd7: {  	s9 =	sld [smem:$0x7EF];
	_ =	sdelay $0x2  }
0xd8: {  	[tilespmem:s11], [sflag:$0x3] =	stream.linear.gather [hbm4b:s9+s0], $0x1000, $0x38;
	[tilespmem:$0x1C000] =	vst v63  }
0xd9: {  	_ =	swait.ge [sflag:s25], $0x1000  }
0xda: {  	[sflag:s25] =	ssyncset.done $0x0  }
0xdb: {  	[sflag:s25] =	ssyncadd.s32 $0xFFFFF000  }
0xdc: {  	[tilespmem:s26], [sflag:$0x5] =	stream.indirect.gather [spmem:s23], $0x1, s0, s26, $0xb8;
	[tilespmem:$0x1C000] =	vst v63  }
0xdd: {  	_ =	swait.ge [sflag:s28], $0x1000  }
0xde: {  	[sflag:s28] =	ssyncset.done $0x0  }
0xdf: {  	s10 =	simm.s32 $0x7000;
	s11 =	sld [smem:$0x7F6];
	[sflag:s28] =	ssyncadd.s32 $0xFFFFF000  }
0xe0: {  	[tilespmem:s10], [sflag:$0x6] =	stream.indirect.gather [spmem:s23], $0x1, s8, s26, $0xb8;
	[tilespmem:$0x1C000] =	vst v63  }
0xe1: {  	s15 =	simm.s32 $0x8000;
	s20 =	sld [smem:$0x7F7]  }
0xe2: {  	[tilespmem:s15], [sflag:$0x4] =	stream.linear.gather [hbm4b:s11+s0], $0x1000, $0x38;
	[tilespmem:$0x1C000] =	vst v63  }
0xe3: {  	s21 =	simm.s32 $0x9000;
	s24 =	sld [smem:$0x7F8]  }
0xe4: {  	[tilespmem:s21], [sflag:$0x4] =	stream.linear.gather [hbm4b:s20+s0], $0x1000, $0x38;
	[tilespmem:$0x1C000] =	vst v63  }
0xe5: {  	_ = 	snop  }
0xe6: {  	[tilespmem:s14], [sflag:$0x4] =	stream.linear.gather [hbm4b:s24+s0], $0x1000, $0x38;
	[tilespmem:$0x1C000] =	vst v63  }
0xe7: {  	_ =	swait.ge [sflag:s19], $0x1000  }
0xe8: {  	[sflag:s19] =	ssyncset.done $0x0  }
0xe9: {  	[sflag:s19] =	ssyncadd.s32 $0xFFFFF000  }
0xea: {  	_ =	swait.ge [sflag:s19], $0x1000  }
0xeb: {  	[sflag:s19] =	ssyncset.done $0x0  }
0xec: {  	[sflag:s19] =	ssyncadd.s32 $0xFFFFF000  }
0xed: {  	_ =	swait.ge [sflag:s19], $0x1000  }
0xee: {  	[sflag:s19] =	ssyncset.done $0x0  }
0xef: {  	[sflag:s19] =	ssyncadd.s32 $0xFFFFF000  }
0xf0: {  	_ =	swait.ge [sflag:s1], $0x1000  }
0xf1: {  	s30 =	sld [smem:$0x7F1]  }
0xf2: {  	[sflag:s1] =	ssyncset.done $0x0  }
0xf3: {  	s31 =	simm.s32 $0x1040;
	[sflag:s1] =	ssyncadd.s32 $0xFFFFF000  }
0xf4: {  	[tilespmem:s0], [sflag:$0x1] =	stream.linear.gather [hbm4b:s30+s0], $0x1000, $0x38;
	[tilespmem:$0x1C000] =	vst v63  }
0xf5: {  	v0 =	vld [tilespmem:s31+$0x30]  }
0xf6: {  	v1 =	vld [tilespmem:s31+$0xFFFFFFD0]  }
0xf7: {  	v2 =	vld [tilespmem:s31+$0xFFFFFFE0]  }
0xf8: {  	v3 =	vld [tilespmem:s31+$0xFFFFFFF0]  }
0xf9: {  	v4 =	vld [tilespmem:s31+$0x0]  }
0xfa: {  	v5 =	vld [tilespmem:s31+$0x10];
	v0 =	vmul.f32 $1.442695020e+00, v0  }
0xfb: {  	v6 =	vld [tilespmem:s31+$0x20];
	v1 =	vmul.f32 $1.442695020e+00, v1  }
0xfc: {  	v7 =	vld [tilespmem:s31+$0xFFFFFFC0];
	v2 =	vmul.f32 $1.442695020e+00, v2;
	(erf) = vpow2.f32 v0  }
0xfd: {  	v0 =	vmul.f32 $1.442695020e+00, v3;
	(erf) = vpow2.f32 v1  }
0xfe: {  	s9 =	simm.s32 $0x3040;
	v1 =	vmul.f32 $1.442695020e+00, v4;
	(erf) = vpow2.f32 v2  }
0xff: {  	v9 =	vld [tilespmem:s9+$0xFFFFFFE0];
	v2 =	vmul.f32 $1.442695020e+00, v5;
	(erf) = vpow2.f32 v0  }
0x100: {  	s10 =	simm.s32 $0x4040;
	v13 =	vld [tilespmem:s9+$0xFFFFFFF0];
	v3 =	vmul.f32 $1.442695020e+00, v6;
	(erf) = vpow2.f32 v1  }
0x101: {  	v15 =	vld [tilespmem:s10+$0xFFFFFFF0];
	v4 =	vmul.f32 $1.442695020e+00, v7;
	(erf) = vpow2.f32 v2  }
0x102: {  	v16 =	vld [tilespmem:s9+$0x0];
	(erf) = vpow2.f32 v3  }
0x103: {  	v7 =	vld [tilespmem:s10+$0xFFFFFFD0];
	(erf) = vpow2.f32 v4  }
0x104: {  	v0 =	vld [tilespmem:s9+$0x30]  }
0x105: {  	v1 =	vld [tilespmem:s10+$0x30];
	v6 =	vpop (erf)  }
0x106: {  	v2 =	vld [tilespmem:s9+$0xFFFFFFC0];
	v8 =	vpop (erf)  }
0x107: {  	v3 =	vld [tilespmem:s10+$0xFFFFFFC0];
	v10 =	vpop (erf)  }
0x108: {  	v4 =	vld [tilespmem:s9+$0xFFFFFFD0];
	v12 =	vpop (erf)  }
0x109: {  	s11 =	simm.s32 $0x2040;
	v18 =	vld [tilespmem:s10+$0x0];
	v14 =	vpop (erf)  }
0x10a: {  	v5 =	vld [tilespmem:s11+$0x30];
	v0 =	vadd.f32 v1, v0;
	v6 =	vmul.f32 $5.000000000e-01, v6;
	v1 =	vpop (erf)  }
0x10b: {  	v11 =	vld [tilespmem:s10+$0xFFFFFFE0];
	v17 =	vpop (erf)  }
0x10c: {  	v19 =	vld [tilespmem:s9+$0x10];
	v3 =	vadd.f32 v3, v2;
	v0 =	vmul.f32 v0, v6;
	v2 =	vpop (erf)  }
0x10d: {  	v20 =	vld [tilespmem:s10+$0x10];
	v6 =	vmul.f32 $5.000000000e-01, v8;
	v7 =	vadd.f32 v7, v4;
	v8 =	vmul.f32 $5.000000000e-01, v2  }
0x10e: {  	v13 =	vadd.f32 v15, v13;
	v15 =	vadd.f32 v18, v16;
	v4 =	vld [tilespmem:s9+$0x20]  }
0x10f: {  	v0 =	vadd.f32 v0, v5;
	v2 =	vmul.f32 v7, v6;
	v5 =	vmul.f32 v3, v8;
	v8 =	vld [tilespmem:s10+$0x20]  }
0x110: {  	v6 =	vadd.f32 v11, v9;
	v7 =	vmul.f32 $5.000000000e-01, v10;
	v11 =	vmul.f32 $5.000000000e-01, v12;
	v9 =	vld [tilespmem:s11+$0xFFFFFFC0]  }
0x111: {  	v14 =	vmul.f32 $5.000000000e-01, v14;
	v0 =	vmax.f32 v0, $9.999999820e-15;
	v12 =	vld [tilespmem:s11+$0xFFFFFFD0];
	v3 =	vmul.f32 $5.000000000e-01, v1  }
0x112: {  	s14 =	simm.s32 $0x5040;
	v10 =	vld [tilespmem:s11+$0xFFFFFFE0];
	v6 =	vmul.f32 v6, v7;
	v7 =	vmul.f32 v13, v11;
	v13 =	vadd.f32 v20, v19  }
0x113: {  	s15 =	simm.s32 $0x0;
	s20 =	simm.s32 $0x10C0;
	[tilespmem:s14+$0x30] =	vst v0;
	v0 =	vmul.f32 v15, v14;
	v1 =	vmul.f32 $5.000000000e-01, v17;
	v11 =	vld [tilespmem:s11+$0xFFFFFFF0]  }
.LBB2_2:
0x114: {  	v14 =	vld [tilespmem:s20+$0x30];
	s15 =	sadd.s32 $0x8, s15;
	v3 =	vmul.f32 v13, v3;
	v4 =	vadd.f32 v8, v4  }
0x115: {  	v8 =	vld [tilespmem:s20+$0xFFFFFFD0];
	p0 =	slt.u32 s15, $0xF8;
	v5 =	vadd.f32 v5, v9  }
0x116: {  	v9 =	vld [tilespmem:s20+$0xFFFFFFE0];
	v2 =	vadd.f32 v2, v12;
	v1 =	vmul.f32 v4, v1  }
0x117: {  	v4 =	vld [tilespmem:s20+$0xFFFFFFF0];
	v5 =	vmax.f32 v5, $9.999999820e-15;
	v6 =	vadd.f32 v6, v10  }
0x118: {  	v10 =	vld [tilespmem:s20+$0x0];
	[tilespmem:s14+$0xFFFFFFC0] =	vst v5;
	v2 =	vmax.f32 v2, $9.999999820e-15;
	v5 =	vadd.f32 v7, v11  }
0x119: {  	v7 =	vld [tilespmem:s20+$0x10];
	v11 =	vmul.f32 $1.442695020e+00, v14;
	[tilespmem:s14+$0xFFFFFFD0] =	vst v2;
	v2 =	vmax.f32 v6, $9.999999820e-15  }
0x11a: {  	v6 =	vmul.f32 $1.442695020e+00, v8;
	v8 =	vld [tilespmem:s20+$0x20];
	[tilespmem:s14+$0xFFFFFFE0] =	vst v2;
	v2 =	vmax.f32 v5, $9.999999820e-15  }
0x11b: {  	v5 =	vld [tilespmem:s20+$0xFFFFFFC0];
	v9 =	vmul.f32 $1.442695020e+00, v9;
	(erf) = vpow2.f32 v11;
	[tilespmem:s14+$0xFFFFFFF0] =	vst v2  }
0x11c: {  	v2 =	vmul.f32 $1.442695020e+00, v4;
	(erf) = vpow2.f32 v6;
	v4 =	vld [tilespmem:s11+$0x0]  }
0x11d: {  	v6 =	vmul.f32 $1.442695020e+00, v10;
	(erf) = vpow2.f32 v9;
	v9 =	vld [tilespmem:s11+$0x10]  }
0x11e: {  	s9 =	sadd.s32 $0x80, s9;
	v7 =	vmul.f32 $1.442695020e+00, v7;
	(erf) = vpow2.f32 v2;
	v2 =	vld [tilespmem:s11+$0x20]  }
0x11f: {  	s10 =	sadd.s32 $0x80, s10;
	v8 =	vmul.f32 $1.442695020e+00, v8;
	v10 =	vld [tilespmem:s9+$0x30];
	(erf) = vpow2.f32 v6  }
0x120: {  	v5 =	vmul.f32 $1.442695020e+00, v5;
	v6 =	vld [tilespmem:s10+$0x30];
	(erf) = vpow2.f32 v7  }
0x121: {  	v7 =	vld [tilespmem:s9+$0xFFFFFFC0];
	(erf) = vpow2.f32 v8;
	v0 =	vadd.f32 v0, v4  }
0x122: {  	v4 =	vld [tilespmem:s10+$0xFFFFFFC0];
	(erf) = vpow2.f32 v5;
	v3 =	vadd.f32 v3, v9  }
0x123: {  	s11 =	sadd.s32 $0x80, s11;
	v5 =	vld [tilespmem:s9+$0xFFFFFFD0];
	v0 =	vmax.f32 v0, $9.999999820e-15;
	v11 =	vadd.f32 v1, v2  }
0x124: {  	v2 =	vld [tilespmem:s11+$0x30];
	v8 =	vpop (erf);
	[tilespmem:s14+$0x0] =	vst v0;
	v0 =	vmax.f32 v3, $9.999999820e-15  }
0x125: {  	v3 =	vld [tilespmem:s10+$0xFFFFFFD0];
	v8 =	vmul.f32 $5.000000000e-01, v8;
	v12 =	vadd.f32 v6, v10;
	v9 =	vpop (erf);
	[tilespmem:s14+$0x10] =	vst v0;
	v0 =	vmax.f32 v11, $9.999999820e-15  }
0x126: {  	v9 =	vmul.f32 $5.000000000e-01, v9;
	v10 =	vld [tilespmem:s9+$0xFFFFFFE0];
	v1 =	vpop (erf);
	[tilespmem:s14+$0x20] =	vst v0  }
0x127: {  	v0 =	vadd.f32 v4, v7;
	v4 =	vmul.f32 $5.000000000e-01, v1;
	v7 =	vld [tilespmem:s10+$0xFFFFFFE0];
	v14 =	vmul.f32 v12, v8;
	v6 =	vpop (erf)  }
0x128: {  	v11 =	vmul.f32 $5.000000000e-01, v6;
	v8 =	vld [tilespmem:s9+$0xFFFFFFF0];
	v6 =	vpop (erf)  }
0x129: {  	v12 =	vld [tilespmem:s10+$0xFFFFFFF0];
	v13 =	vmul.f32 $5.000000000e-01, v6;
	v16 =	vadd.f32 v14, v2;
	v1 =	vpop (erf)  }
0x12a: {  	v5 =	vadd.f32 v3, v5;
	v14 =	vld [tilespmem:s9+$0x0];
	v3 =	vmul.f32 $5.000000000e-01, v1;
	v1 =	vpop (erf)  }
0x12b: {  	s14 =	sadd.s32 $0x80, s14;
	v15 =	vld [tilespmem:s10+$0x0];
	v1 =	vmul.f32 $5.000000000e-01, v1;
	v6 =	vmax.f32 v16, $9.999999820e-15;
	v2 =	vpop (erf)  }
0x12c: {  	v16 =	vmul.f32 $5.000000000e-01, v2;
	v2 =	vmul.f32 v5, v9;
	v7 =	vadd.f32 v7, v10;
	v17 =	vld [tilespmem:s9+$0x10];
	[tilespmem:s14+$0x30] =	vst v6  }
0x12d: {  	v18 =	vld [tilespmem:s10+$0x10]  }
0x12e: {  	v5 =	vmul.f32 v0, v16;
	v6 =	vmul.f32 v7, v4;
	v0 =	vadd.f32 v12, v8;
	v4 =	vld [tilespmem:s9+$0x20]  }
.Ltmp0:
0x12f: {  	v8 =	vld [tilespmem:s10+$0x20];
	(pc) =	sbr.rel @p0 .LBB2_2-.Ltmp0, $4  }
0x130: {  	v9 =	vld [tilespmem:s11+$0xFFFFFFC0];
	v7 =	vmul.f32 v0, v11;
	v0 =	vadd.f32 v15, v14  }
0x131: {  	v12 =	vld [tilespmem:s11+$0xFFFFFFD0]  }
0x132: {  	v10 =	vld [tilespmem:s11+$0xFFFFFFE0];
	v0 =	vmul.f32 v0, v13;
	v13 =	vadd.f32 v18, v17  }
0x133: {  	s20 =	sadd.s32 $0x80, s20;
	v11 =	vld [tilespmem:s11+$0xFFFFFFF0]  }
0x134: {  	v14 =	vld [tilespmem:s11+$0x0]  }
0x135: {  	v5 =	vadd.f32 v5, v9;
	v9 =	vld [tilespmem:s11+$0x10]  }
0x136: {  	v2 =	vadd.f32 v2, v12;
	v12 =	vld [tilespmem:s11+$0x20]  }
0x137: {  	v4 =	vadd.f32 v8, v4;
	v5 =	vmax.f32 v5, $9.999999820e-15;
	v6 =	vadd.f32 v6, v10  }
0x138: {  	v3 =	vmul.f32 v13, v3;
	[tilespmem:s14+$0xFFFFFFC0] =	vst v5;
	v2 =	vmax.f32 v2, $9.999999820e-15;
	v5 =	vadd.f32 v7, v11  }
0x139: {  	v1 =	vmul.f32 v4, v1;
	[tilespmem:s14+$0xFFFFFFD0] =	vst v2;
	v2 =	vmax.f32 v6, $9.999999820e-15;
	v0 =	vadd.f32 v0, v14  }
0x13a: {  	[tilespmem:s14+$0xFFFFFFE0] =	vst v2;
	v2 =	vmax.f32 v5, $9.999999820e-15;
	v3 =	vadd.f32 v3, v9  }
0x13b: {  	[tilespmem:s14+$0xFFFFFFF0] =	vst v2;
	v0 =	vmax.f32 v0, $9.999999820e-15;
	v1 =	vadd.f32 v1, v12  }
0x13c: {  	[tilespmem:s14+$0x0] =	vst v0;
	v0 =	vmax.f32 v3, $9.999999820e-15  }
0x13d: {  	[tilespmem:s14+$0x10] =	vst v0;
	v0 =	vmax.f32 v1, $9.999999820e-15  }
0x13e: {  	[tilespmem:s14+$0x20] =	vst v0  }
0x13f: {  	s2 =	sld [smem:$0x7F0];
	_ =	sdelay $0x1  }
0x140: {  	s9 =	simm.s32 $0x5000  }
0x141: {  	[hbm4b:s2+s0] =	stream.linear.scatter [tilespmem:s9], [sflag:$0x7], $0x1000, $0x38;
	[tilespmem:$0x1C000] =	vst v63  }
0x142: {  	_ =	swait.ge [sflag:s25], $0x1000  }
0x143: {  	[sflag:s25] =	ssyncset.done $0x0  }
0x144: {  	s11 =	sld [smem:$0x7F2];
	[sflag:s25] =	ssyncadd.s32 $0xFFFFF000  }
0x145: {  	[tilespmem:s26], [sflag:$0x5] =	stream.indirect.gather [spmem:s23], $0x1, s0, s26, $0xb8;
	[tilespmem:$0x1C000] =	vst v63  }
0x146: {  	s14 =	simm.s32 $0x2000;
	s15 =	sld [smem:$0x7F3]  }
0x147: {  	[tilespmem:s14], [sflag:$0x3] =	stream.linear.gather [hbm4b:s11+s0], $0x1000, $0x38;
	[tilespmem:$0x1C000] =	vst v63  }
0x148: {  	s20 =	simm.s32 $0x3000;
	s21 =	sld [smem:$0x7F4]  }
0x149: {  	[tilespmem:s20], [sflag:$0x3] =	stream.linear.gather [hbm4b:s15+s0], $0x1000, $0x38;
	[tilespmem:$0x1C000] =	vst v63  }
0x14a: {  	s24 =	simm.s32 $0x4000  }
0x14b: {  	[tilespmem:s24], [sflag:$0x3] =	stream.linear.gather [hbm4b:s21+s0], $0x1000, $0x38;
	[tilespmem:$0x1C000] =	vst v63  }
0x14c: {  	_ =	swait.ge [sflag:s3], $0x1000  }
0x14d: {  	[sflag:s3] =	ssyncset.done $0x0  }
0x14e: {  	[sflag:s3] =	ssyncadd.s32 $0xFFFFF000  }
0x14f: {  	_ =	swait.ge [sflag:s3], $0x1000  }
0x150: {  	[sflag:s3] =	ssyncset.done $0x0  }
0x151: {  	[sflag:s3] =	ssyncadd.s32 $0xFFFFF000  }
0x152: {  	_ =	swait.ge [sflag:s3], $0x1000  }
0x153: {  	[sflag:s3] =	ssyncset.done $0x0  }
0x154: {  	[sflag:s3] =	ssyncadd.s32 $0xFFFFF000  }
0x155: {  	_ =	swait.ge [sflag:s4], $0x1000  }
0x156: {  	s30 =	sld [smem:$0x7FC]  }
0x157: {  	[sflag:s4] =	ssyncset.done $0x0  }
0x158: {  	s31 =	simm.s32 $0x7040;
	[sflag:s4] =	ssyncadd.s32 $0xFFFFF000  }
0x159: {  	[tilespmem:s8], [sflag:$0x2] =	stream.linear.gather [hbm4b:s30+s0], $0x1000, $0x38;
	[tilespmem:$0x1C000] =	vst v63  }
0x15a: {  	v0 =	vld [tilespmem:s31+$0x30]  }
0x15b: {  	v1 =	vld [tilespmem:s31+$0xFFFFFFD0]  }
0x15c: {  	v2 =	vld [tilespmem:s31+$0xFFFFFFE0]  }
0x15d: {  	v3 =	vld [tilespmem:s31+$0xFFFFFFF0]  }
0x15e: {  	v4 =	vld [tilespmem:s31+$0x0]  }
0x15f: {  	v5 =	vld [tilespmem:s31+$0x10];
	v0 =	vmul.f32 $1.442695020e+00, v0  }
0x160: {  	v6 =	vld [tilespmem:s31+$0x20];
	v1 =	vmul.f32 $1.442695020e+00, v1  }
0x161: {  	v7 =	vld [tilespmem:s31+$0xFFFFFFC0];
	v2 =	vmul.f32 $1.442695020e+00, v2;
	(erf) = vpow2.f32 v0  }
0x162: {  	v0 =	vmul.f32 $1.442695020e+00, v3;
	(erf) = vpow2.f32 v1  }
0x163: {  	s9 =	simm.s32 $0x9040;
	v1 =	vmul.f32 $1.442695020e+00, v4;
	(erf) = vpow2.f32 v2  }
0x164: {  	v9 =	vld [tilespmem:s9+$0xFFFFFFE0];
	v2 =	vmul.f32 $1.442695020e+00, v5;
	(erf) = vpow2.f32 v0  }
0x165: {  	s10 =	simm.s32 $0xA040;
	v13 =	vld [tilespmem:s9+$0xFFFFFFF0];
	v3 =	vmul.f32 $1.442695020e+00, v6;
	(erf) = vpow2.f32 v1  }
0x166: {  	v15 =	vld [tilespmem:s10+$0xFFFFFFF0];
	v4 =	vmul.f32 $1.442695020e+00, v7;
	(erf) = vpow2.f32 v2  }
0x167: {  	v16 =	vld [tilespmem:s9+$0x0];
	(erf) = vpow2.f32 v3  }
0x168: {  	v7 =	vld [tilespmem:s10+$0xFFFFFFD0];
	(erf) = vpow2.f32 v4  }
0x169: {  	v0 =	vld [tilespmem:s9+$0x30]  }
0x16a: {  	v1 =	vld [tilespmem:s10+$0x30];
	v6 =	vpop (erf)  }
0x16b: {  	v2 =	vld [tilespmem:s9+$0xFFFFFFC0];
	v8 =	vpop (erf)  }
0x16c: {  	v3 =	vld [tilespmem:s10+$0xFFFFFFC0];
	v10 =	vpop (erf)  }
0x16d: {  	v4 =	vld [tilespmem:s9+$0xFFFFFFD0];
	v12 =	vpop (erf)  }
0x16e: {  	s11 =	simm.s32 $0x8040;
	v18 =	vld [tilespmem:s10+$0x0];
	v14 =	vpop (erf)  }
0x16f: {  	v5 =	vld [tilespmem:s11+$0x30];
	v0 =	vadd.f32 v1, v0;
	v6 =	vmul.f32 $5.000000000e-01, v6;
	v1 =	vpop (erf)  }
0x170: {  	v11 =	vld [tilespmem:s10+$0xFFFFFFE0];
	v17 =	vpop (erf)  }
0x171: {  	v19 =	vld [tilespmem:s9+$0x10];
	v3 =	vadd.f32 v3, v2;
	v0 =	vmul.f32 v0, v6;
	v2 =	vpop (erf)  }
0x172: {  	v20 =	vld [tilespmem:s10+$0x10];
	v6 =	vmul.f32 $5.000000000e-01, v8;
	v7 =	vadd.f32 v7, v4;
	v8 =	vmul.f32 $5.000000000e-01, v2  }
0x173: {  	v13 =	vadd.f32 v15, v13;
	v15 =	vadd.f32 v18, v16;
	v4 =	vld [tilespmem:s9+$0x20]  }
0x174: {  	v0 =	vadd.f32 v0, v5;
	v2 =	vmul.f32 v7, v6;
	v5 =	vmul.f32 v3, v8;
	v8 =	vld [tilespmem:s10+$0x20]  }
0x175: {  	v6 =	vadd.f32 v11, v9;
	v7 =	vmul.f32 $5.000000000e-01, v10;
	v11 =	vmul.f32 $5.000000000e-01, v12;
	v9 =	vld [tilespmem:s11+$0xFFFFFFC0]  }
0x176: {  	v14 =	vmul.f32 $5.000000000e-01, v14;
	v0 =	vmax.f32 v0, $9.999999820e-15;
	v12 =	vld [tilespmem:s11+$0xFFFFFFD0];
	v3 =	vmul.f32 $5.000000000e-01, v1  }
0x177: {  	s14 =	simm.s32 $0xB040;
	v10 =	vld [tilespmem:s11+$0xFFFFFFE0];
	v6 =	vmul.f32 v6, v7;
	v7 =	vmul.f32 v13, v11;
	v13 =	vadd.f32 v20, v19  }
0x178: {  	s15 =	simm.s32 $0x0;
	s20 =	simm.s32 $0x70C0;
	[tilespmem:s14+$0x30] =	vst v0;
	v0 =	vmul.f32 v15, v14;
	v1 =	vmul.f32 $5.000000000e-01, v17;
	v11 =	vld [tilespmem:s11+$0xFFFFFFF0]  }
.LBB2_4:
0x179: {  	v14 =	vld [tilespmem:s20+$0x30];
	s15 =	sadd.s32 $0x8, s15;
	v3 =	vmul.f32 v13, v3;
	v4 =	vadd.f32 v8, v4  }
0x17a: {  	v8 =	vld [tilespmem:s20+$0xFFFFFFD0];
	p0 =	slt.u32 s15, $0xF8;
	v5 =	vadd.f32 v5, v9  }
0x17b: {  	v9 =	vld [tilespmem:s20+$0xFFFFFFE0];
	v2 =	vadd.f32 v2, v12;
	v1 =	vmul.f32 v4, v1  }
0x17c: {  	v4 =	vld [tilespmem:s20+$0xFFFFFFF0];
	v5 =	vmax.f32 v5, $9.999999820e-15;
	v6 =	vadd.f32 v6, v10  }
0x17d: {  	v10 =	vld [tilespmem:s20+$0x0];
	[tilespmem:s14+$0xFFFFFFC0] =	vst v5;
	v2 =	vmax.f32 v2, $9.999999820e-15;
	v5 =	vadd.f32 v7, v11  }
0x17e: {  	v7 =	vld [tilespmem:s20+$0x10];
	v11 =	vmul.f32 $1.442695020e+00, v14;
	[tilespmem:s14+$0xFFFFFFD0] =	vst v2;
	v2 =	vmax.f32 v6, $9.999999820e-15  }
0x17f: {  	v6 =	vmul.f32 $1.442695020e+00, v8;
	v8 =	vld [tilespmem:s20+$0x20];
	[tilespmem:s14+$0xFFFFFFE0] =	vst v2;
	v2 =	vmax.f32 v5, $9.999999820e-15  }
0x180: {  	v5 =	vld [tilespmem:s20+$0xFFFFFFC0];
	v9 =	vmul.f32 $1.442695020e+00, v9;
	(erf) = vpow2.f32 v11;
	[tilespmem:s14+$0xFFFFFFF0] =	vst v2  }
0x181: {  	v2 =	vmul.f32 $1.442695020e+00, v4;
	(erf) = vpow2.f32 v6;
	v4 =	vld [tilespmem:s11+$0x0]  }
0x182: {  	v6 =	vmul.f32 $1.442695020e+00, v10;
	(erf) = vpow2.f32 v9;
	v9 =	vld [tilespmem:s11+$0x10]  }
0x183: {  	s9 =	sadd.s32 $0x80, s9;
	v7 =	vmul.f32 $1.442695020e+00, v7;
	(erf) = vpow2.f32 v2;
	v2 =	vld [tilespmem:s11+$0x20]  }
0x184: {  	s10 =	sadd.s32 $0x80, s10;
	v8 =	vmul.f32 $1.442695020e+00, v8;
	v10 =	vld [tilespmem:s9+$0x30];
	(erf) = vpow2.f32 v6  }
0x185: {  	v5 =	vmul.f32 $1.442695020e+00, v5;
	v6 =	vld [tilespmem:s10+$0x30];
	(erf) = vpow2.f32 v7  }
0x186: {  	v7 =	vld [tilespmem:s9+$0xFFFFFFC0];
	(erf) = vpow2.f32 v8;
	v0 =	vadd.f32 v0, v4  }
0x187: {  	v4 =	vld [tilespmem:s10+$0xFFFFFFC0];
	(erf) = vpow2.f32 v5;
	v3 =	vadd.f32 v3, v9  }
0x188: {  	s11 =	sadd.s32 $0x80, s11;
	v5 =	vld [tilespmem:s9+$0xFFFFFFD0];
	v0 =	vmax.f32 v0, $9.999999820e-15;
	v11 =	vadd.f32 v1, v2  }
0x189: {  	v2 =	vld [tilespmem:s11+$0x30];
	v8 =	vpop (erf);
	[tilespmem:s14+$0x0] =	vst v0;
	v0 =	vmax.f32 v3, $9.999999820e-15  }
0x18a: {  	v3 =	vld [tilespmem:s10+$0xFFFFFFD0];
	v8 =	vmul.f32 $5.000000000e-01, v8;
	v12 =	vadd.f32 v6, v10;
	v9 =	vpop (erf);
	[tilespmem:s14+$0x10] =	vst v0;
	v0 =	vmax.f32 v11, $9.999999820e-15  }
0x18b: {  	v9 =	vmul.f32 $5.000000000e-01, v9;
	v10 =	vld [tilespmem:s9+$0xFFFFFFE0];
	v1 =	vpop (erf);
	[tilespmem:s14+$0x20] =	vst v0  }
0x18c: {  	v0 =	vadd.f32 v4, v7;
	v4 =	vmul.f32 $5.000000000e-01, v1;
	v7 =	vld [tilespmem:s10+$0xFFFFFFE0];
	v14 =	vmul.f32 v12, v8;
	v6 =	vpop (erf)  }
0x18d: {  	v11 =	vmul.f32 $5.000000000e-01, v6;
	v8 =	vld [tilespmem:s9+$0xFFFFFFF0];
	v6 =	vpop (erf)  }
0x18e: {  	v12 =	vld [tilespmem:s10+$0xFFFFFFF0];
	v13 =	vmul.f32 $5.000000000e-01, v6;
	v16 =	vadd.f32 v14, v2;
	v1 =	vpop (erf)  }
0x18f: {  	v5 =	vadd.f32 v3, v5;
	v14 =	vld [tilespmem:s9+$0x0];
	v3 =	vmul.f32 $5.000000000e-01, v1;
	v1 =	vpop (erf)  }
0x190: {  	s14 =	sadd.s32 $0x80, s14;
	v15 =	vld [tilespmem:s10+$0x0];
	v1 =	vmul.f32 $5.000000000e-01, v1;
	v6 =	vmax.f32 v16, $9.999999820e-15;
	v2 =	vpop (erf)  }
0x191: {  	v16 =	vmul.f32 $5.000000000e-01, v2;
	v2 =	vmul.f32 v5, v9;
	v7 =	vadd.f32 v7, v10;
	v17 =	vld [tilespmem:s9+$0x10];
	[tilespmem:s14+$0x30] =	vst v6  }
0x192: {  	v18 =	vld [tilespmem:s10+$0x10]  }
0x193: {  	v5 =	vmul.f32 v0, v16;
	v6 =	vmul.f32 v7, v4;
	v0 =	vadd.f32 v12, v8;
	v4 =	vld [tilespmem:s9+$0x20]  }
.Ltmp1:
0x194: {  	v8 =	vld [tilespmem:s10+$0x20];
	(pc) =	sbr.rel @p0 .LBB2_4-.Ltmp1, $4  }
0x195: {  	v9 =	vld [tilespmem:s11+$0xFFFFFFC0];
	v7 =	vmul.f32 v0, v11;
	v0 =	vadd.f32 v15, v14  }
0x196: {  	v12 =	vld [tilespmem:s11+$0xFFFFFFD0]  }
0x197: {  	v10 =	vld [tilespmem:s11+$0xFFFFFFE0];
	v0 =	vmul.f32 v0, v13;
	v13 =	vadd.f32 v18, v17  }
0x198: {  	s20 =	sadd.s32 $0x80, s20;
	v11 =	vld [tilespmem:s11+$0xFFFFFFF0]  }
0x199: {  	v14 =	vld [tilespmem:s11+$0x0]  }
0x19a: {  	v57 =	vld [tilespmem:s11+$0x10];
	v5 =	vadd.f32 v5, v9  }
0x19b: {  	v58 =	vld [tilespmem:s11+$0x20];
	v2 =	vadd.f32 v2, v12  }
0x19c: {  	v4 =	vadd.f32 v8, v4;
	v5 =	vmax.f32 v5, $9.999999820e-15;
	v6 =	vadd.f32 v6, v10  }
0x19d: {  	v3 =	vmul.f32 v13, v3;
	[tilespmem:s14+$0xFFFFFFC0] =	vst v5;
	v2 =	vmax.f32 v2, $9.999999820e-15;
	v59 =	vadd.f32 v7, v11  }
0x19e: {  	v1 =	vmul.f32 v4, v1;
	[tilespmem:s14+$0xFFFFFFD0] =	vst v2;
	v60 =	vmax.f32 v6, $9.999999820e-15;
	v0 =	vadd.f32 v0, v14  }
0x19f: {  	v3 =	vadd.f32 v3, v57;
	[tilespmem:s14+$0xFFFFFFE0] =	vst v60;
	v61 =	vmax.f32 v59, $9.999999820e-15  }
0x1a0: {  	v1 =	vadd.f32 v1, v58;
	[tilespmem:s14+$0xFFFFFFF0] =	vst v61;
	v0 =	vmax.f32 v0, $9.999999820e-15  }
0x1a1: {  	v62 =	vmax.f32 v3, $9.999999820e-15;
	[tilespmem:s14+$0x0] =	vst v0  }
0x1a2: {  	v63 =	vmax.f32 v1, $9.999999820e-15;
	[tilespmem:s14+$0x10] =	vst v62  }
0x1a3: {  	[tilespmem:s14+$0x20] =	vst v63  }
0x1a4: {  	s2 =	sld [smem:$0x7F9];
	_ =	sdelay $0x1  }
0x1a5: {  	s9 =	simm.s32 $0xB000;
	s30 =	simm.s32 $0x1  }
0x1a6: {  	[hbm4b:s2+s0] =	stream.linear.scatter [tilespmem:s9], [sflag:$0x8], $0x1000, $0x38;
	[tilespmem:$0x1C000] =	vst v63  }
.LBB2_6:
0x1a7: {  	_ =	swait.ge [sflag:s28], $0x1000  }
0x1a8: {  	[sflag:s28] =	ssyncset.done $0x0;
	s9 =	sld [smem:$0x7FD]  }
0x1a9: {  	s2 =	simm.s32 $0x7000;
	s10 =	sshll.u32 s30, $0xD;
	[sflag:s28] =	ssyncadd.s32 $0xFFFFF000  }
0x1aa: {  	[tilespmem:s2], [sflag:$0x6] =	stream.indirect.gather [spmem:s23], $0x1, s8, s26, $0xb8;
	[tilespmem:$0x1C000] =	vst v63  }
0x1ab: {  	s2 =	sadd.s32 s9, s10  }
0x1ac: {  	s31 =	sshrl.u32 s2, $0x3  }
0x1ad: {  	s9 =	simm.s32 $0x8000;
	s2 =	sadd.s32 s16, s31  }
0x1ae: {  	[tilespmem:s9], [sflag:$0x4] =	stream.linear.gather [hbm4b:s2+s0], $0x1000, $0x38;
	[tilespmem:$0x1C000] =	vst v63  }
0x1af: {  	s14 =	simm.s32 $0x9000;
	s11 =	sadd.s32 s17, s31  }
0x1b0: {  	[tilespmem:s14], [sflag:$0x4] =	stream.linear.gather [hbm4b:s11+s0], $0x1000, $0x38;
	[tilespmem:$0x1C000] =	vst v63  }
0x1b1: {  	s20 =	simm.s32 $0xA000;
	s15 =	sadd.s32 s18, s31  }
0x1b2: {  	[tilespmem:s20], [sflag:$0x4] =	stream.linear.gather [hbm4b:s15+s0], $0x1000, $0x38;
	[tilespmem:$0x1C000] =	vst v63  }
0x1b3: {  	_ =	swait.ge [sflag:s19], $0x1000  }
0x1b4: {  	[sflag:s19] =	ssyncset.done $0x0  }
0x1b5: {  	[sflag:s19] =	ssyncadd.s32 $0xFFFFF000  }
0x1b6: {  	_ =	swait.ge [sflag:s19], $0x1000  }
0x1b7: {  	[sflag:s19] =	ssyncset.done $0x0  }
0x1b8: {  	[sflag:s19] =	ssyncadd.s32 $0xFFFFF000  }
0x1b9: {  	_ =	swait.ge [sflag:s19], $0x1000  }
0x1ba: {  	[sflag:s19] =	ssyncset.done $0x0  }
0x1bb: {  	[sflag:s19] =	ssyncadd.s32 $0xFFFFF000  }
0x1bc: {  	s9 =	sshll.u32 s30, $0x1;
	_ =	swait.ge [sflag:s1], $0x1000  }
0x1bd: {  	s21 =	smin.u32 s9, $0x1D;
	[sflag:s1] =	ssyncset.done $0x0  }
0x1be: {  	s2 =	sshll.u32 s21, $0xC;
	[sflag:s1] =	ssyncadd.s32 $0xFFFFF000  }
0x1bf: {  	s2 =	sadd.s32 s2, s6;
	_ =	swait.ge [sflag:s12], $0x1000  }
0x1c0: {  	s11 =	sshrl.u32 s2, $0x3;
	[sflag:s12] =	ssyncset.done $0x0  }
0x1c1: {  	s24 =	simm.s32 $0x1040;
	s2 =	sadd.s32 s22, s11;
	[sflag:s12] =	ssyncadd.s32 $0xFFFFF000  }
0x1c2: {  	[tilespmem:s0], [sflag:$0x1] =	stream.linear.gather [hbm4b:s2+s0], $0x1000, $0x38;
	[tilespmem:$0x1C000] =	vst v63  }
0x1c3: {  	v0 =	vld [tilespmem:s24+$0x30]  }
0x1c4: {  	v1 =	vld [tilespmem:s24+$0xFFFFFFD0]  }
0x1c5: {  	v2 =	vld [tilespmem:s24+$0xFFFFFFE0]  }
0x1c6: {  	v3 =	vld [tilespmem:s24+$0xFFFFFFF0]  }
0x1c7: {  	v4 =	vld [tilespmem:s24+$0x0]  }
0x1c8: {  	v5 =	vld [tilespmem:s24+$0x10];
	v0 =	vmul.f32 $1.442695020e+00, v0  }
0x1c9: {  	v6 =	vld [tilespmem:s24+$0x20];
	v1 =	vmul.f32 $1.442695020e+00, v1  }
0x1ca: {  	v7 =	vld [tilespmem:s24+$0xFFFFFFC0];
	v2 =	vmul.f32 $1.442695020e+00, v2;
	(erf) = vpow2.f32 v0  }
0x1cb: {  	v0 =	vmul.f32 $1.442695020e+00, v3;
	(erf) = vpow2.f32 v1  }
0x1cc: {  	s14 =	simm.s32 $0x3040;
	v1 =	vmul.f32 $1.442695020e+00, v4;
	(erf) = vpow2.f32 v2  }
0x1cd: {  	v9 =	vld [tilespmem:s14+$0xFFFFFFE0];
	v2 =	vmul.f32 $1.442695020e+00, v5;
	(erf) = vpow2.f32 v0  }
0x1ce: {  	s20 =	simm.s32 $0x4040;
	v13 =	vld [tilespmem:s14+$0xFFFFFFF0];
	v3 =	vmul.f32 $1.442695020e+00, v6;
	(erf) = vpow2.f32 v1  }
0x1cf: {  	v15 =	vld [tilespmem:s20+$0xFFFFFFF0];
	v4 =	vmul.f32 $1.442695020e+00, v7;
	(erf) = vpow2.f32 v2  }
0x1d0: {  	v16 =	vld [tilespmem:s14+$0x0];
	(erf) = vpow2.f32 v3  }
0x1d1: {  	v7 =	vld [tilespmem:s20+$0xFFFFFFD0];
	(erf) = vpow2.f32 v4  }
0x1d2: {  	v0 =	vld [tilespmem:s14+$0x30]  }
0x1d3: {  	v1 =	vld [tilespmem:s20+$0x30];
	v6 =	vpop (erf)  }
0x1d4: {  	v2 =	vld [tilespmem:s14+$0xFFFFFFC0];
	v8 =	vpop (erf)  }
0x1d5: {  	v3 =	vld [tilespmem:s20+$0xFFFFFFC0];
	v10 =	vpop (erf)  }
0x1d6: {  	v4 =	vld [tilespmem:s14+$0xFFFFFFD0];
	v12 =	vpop (erf)  }
0x1d7: {  	s15 =	simm.s32 $0x2040;
	v18 =	vld [tilespmem:s20+$0x0];
	v14 =	vpop (erf)  }
0x1d8: {  	v5 =	vld [tilespmem:s15+$0x30];
	v0 =	vadd.f32 v1, v0;
	v6 =	vmul.f32 $5.000000000e-01, v6;
	v1 =	vpop (erf)  }
0x1d9: {  	v11 =	vld [tilespmem:s20+$0xFFFFFFE0];
	v17 =	vpop (erf)  }
0x1da: {  	v19 =	vld [tilespmem:s14+$0x10];
	v3 =	vadd.f32 v3, v2;
	v0 =	vmul.f32 v0, v6;
	v2 =	vpop (erf)  }
0x1db: {  	v20 =	vld [tilespmem:s20+$0x10];
	v6 =	vmul.f32 $5.000000000e-01, v8;
	v7 =	vadd.f32 v7, v4;
	v8 =	vmul.f32 $5.000000000e-01, v2  }
0x1dc: {  	v13 =	vadd.f32 v15, v13;
	v15 =	vadd.f32 v18, v16;
	v4 =	vld [tilespmem:s14+$0x20]  }
0x1dd: {  	v0 =	vadd.f32 v0, v5;
	v2 =	vmul.f32 v7, v6;
	v5 =	vmul.f32 v3, v8;
	v8 =	vld [tilespmem:s20+$0x20]  }
0x1de: {  	v6 =	vadd.f32 v11, v9;
	v7 =	vmul.f32 $5.000000000e-01, v10;
	v11 =	vmul.f32 $5.000000000e-01, v12;
	v9 =	vld [tilespmem:s15+$0xFFFFFFC0]  }
0x1df: {  	v14 =	vmul.f32 $5.000000000e-01, v14;
	v0 =	vmax.f32 v0, $9.999999820e-15;
	v12 =	vld [tilespmem:s15+$0xFFFFFFD0];
	v3 =	vmul.f32 $5.000000000e-01, v1  }
0x1e0: {  	s21 =	simm.s32 $0x5040;
	v10 =	vld [tilespmem:s15+$0xFFFFFFE0];
	v6 =	vmul.f32 v6, v7;
	v7 =	vmul.f32 v13, v11;
	v13 =	vadd.f32 v20, v19  }
0x1e1: {  	s2 =	simm.s32 $0x10C0;
	s24 =	simm.s32 $0x0;
	[tilespmem:s21+$0x30] =	vst v0;
	v0 =	vmul.f32 v15, v14;
	v1 =	vmul.f32 $5.000000000e-01, v17;
	v11 =	vld [tilespmem:s15+$0xFFFFFFF0]  }
.LBB2_7:
0x1e2: {  	v14 =	vld [tilespmem:s2+$0x30];
	s24 =	sadd.s32 $0x8, s24;
	v3 =	vmul.f32 v13, v3;
	v4 =	vadd.f32 v8, v4  }
0x1e3: {  	v8 =	vld [tilespmem:s2+$0xFFFFFFD0];
	p0 =	slt.u32 s24, $0xF8;
	v5 =	vadd.f32 v5, v9  }
0x1e4: {  	v9 =	vld [tilespmem:s2+$0xFFFFFFE0];
	v2 =	vadd.f32 v2, v12;
	v1 =	vmul.f32 v4, v1  }
0x1e5: {  	v4 =	vld [tilespmem:s2+$0xFFFFFFF0];
	v5 =	vmax.f32 v5, $9.999999820e-15;
	v6 =	vadd.f32 v6, v10  }
0x1e6: {  	v10 =	vld [tilespmem:s2+$0x0];
	[tilespmem:s21+$0xFFFFFFC0] =	vst v5;
	v2 =	vmax.f32 v2, $9.999999820e-15;
	v5 =	vadd.f32 v7, v11  }
0x1e7: {  	v7 =	vld [tilespmem:s2+$0x10];
	v11 =	vmul.f32 $1.442695020e+00, v14;
	[tilespmem:s21+$0xFFFFFFD0] =	vst v2;
	v2 =	vmax.f32 v6, $9.999999820e-15  }
0x1e8: {  	v6 =	vmul.f32 $1.442695020e+00, v8;
	v8 =	vld [tilespmem:s2+$0x20];
	[tilespmem:s21+$0xFFFFFFE0] =	vst v2;
	v2 =	vmax.f32 v5, $9.999999820e-15  }
0x1e9: {  	v5 =	vld [tilespmem:s2+$0xFFFFFFC0];
	v9 =	vmul.f32 $1.442695020e+00, v9;
	(erf) = vpow2.f32 v11;
	[tilespmem:s21+$0xFFFFFFF0] =	vst v2  }
0x1ea: {  	v2 =	vmul.f32 $1.442695020e+00, v4;
	(erf) = vpow2.f32 v6;
	v4 =	vld [tilespmem:s15+$0x0]  }
0x1eb: {  	v6 =	vmul.f32 $1.442695020e+00, v10;
	(erf) = vpow2.f32 v9;
	v9 =	vld [tilespmem:s15+$0x10]  }
0x1ec: {  	s14 =	sadd.s32 $0x80, s14;
	v7 =	vmul.f32 $1.442695020e+00, v7;
	(erf) = vpow2.f32 v2;
	v2 =	vld [tilespmem:s15+$0x20]  }
0x1ed: {  	s20 =	sadd.s32 $0x80, s20;
	v8 =	vmul.f32 $1.442695020e+00, v8;
	v10 =	vld [tilespmem:s14+$0x30];
	(erf) = vpow2.f32 v6  }
0x1ee: {  	v5 =	vmul.f32 $1.442695020e+00, v5;
	v6 =	vld [tilespmem:s20+$0x30];
	(erf) = vpow2.f32 v7  }
0x1ef: {  	v7 =	vld [tilespmem:s14+$0xFFFFFFC0];
	(erf) = vpow2.f32 v8;
	v0 =	vadd.f32 v0, v4  }
0x1f0: {  	v4 =	vld [tilespmem:s20+$0xFFFFFFC0];
	(erf) = vpow2.f32 v5;
	v3 =	vadd.f32 v3, v9  }
0x1f1: {  	s15 =	sadd.s32 $0x80, s15;
	v5 =	vld [tilespmem:s14+$0xFFFFFFD0];
	v0 =	vmax.f32 v0, $9.999999820e-15;
	v11 =	vadd.f32 v1, v2  }
0x1f2: {  	v2 =	vld [tilespmem:s15+$0x30];
	v8 =	vpop (erf);
	[tilespmem:s21+$0x0] =	vst v0;
	v0 =	vmax.f32 v3, $9.999999820e-15  }
0x1f3: {  	v3 =	vld [tilespmem:s20+$0xFFFFFFD0];
	v8 =	vmul.f32 $5.000000000e-01, v8;
	v12 =	vadd.f32 v6, v10;
	v9 =	vpop (erf);
	[tilespmem:s21+$0x10] =	vst v0;
	v0 =	vmax.f32 v11, $9.999999820e-15  }
0x1f4: {  	v9 =	vmul.f32 $5.000000000e-01, v9;
	v10 =	vld [tilespmem:s14+$0xFFFFFFE0];
	v1 =	vpop (erf);
	[tilespmem:s21+$0x20] =	vst v0  }
0x1f5: {  	v0 =	vadd.f32 v4, v7;
	v4 =	vmul.f32 $5.000000000e-01, v1;
	v7 =	vld [tilespmem:s20+$0xFFFFFFE0];
	v14 =	vmul.f32 v12, v8;
	v6 =	vpop (erf)  }
0x1f6: {  	v11 =	vmul.f32 $5.000000000e-01, v6;
	v8 =	vld [tilespmem:s14+$0xFFFFFFF0];
	v6 =	vpop (erf)  }
0x1f7: {  	v12 =	vld [tilespmem:s20+$0xFFFFFFF0];
	v13 =	vmul.f32 $5.000000000e-01, v6;
	v16 =	vadd.f32 v14, v2;
	v1 =	vpop (erf)  }
0x1f8: {  	v5 =	vadd.f32 v3, v5;
	v14 =	vld [tilespmem:s14+$0x0];
	v3 =	vmul.f32 $5.000000000e-01, v1;
	v1 =	vpop (erf)  }
0x1f9: {  	s21 =	sadd.s32 $0x80, s21;
	v15 =	vld [tilespmem:s20+$0x0];
	v1 =	vmul.f32 $5.000000000e-01, v1;
	v6 =	vmax.f32 v16, $9.999999820e-15;
	v2 =	vpop (erf)  }
0x1fa: {  	v16 =	vmul.f32 $5.000000000e-01, v2;
	v2 =	vmul.f32 v5, v9;
	v7 =	vadd.f32 v7, v10;
	v17 =	vld [tilespmem:s14+$0x10];
	[tilespmem:s21+$0x30] =	vst v6  }
0x1fb: {  	v18 =	vld [tilespmem:s20+$0x10]  }
0x1fc: {  	v5 =	vmul.f32 v0, v16;
	v6 =	vmul.f32 v7, v4;
	v0 =	vadd.f32 v12, v8;
	v4 =	vld [tilespmem:s14+$0x20]  }
.Ltmp2:
0x1fd: {  	v8 =	vld [tilespmem:s20+$0x20];
	(pc) =	sbr.rel @p0 .LBB2_7-.Ltmp2, $4  }
0x1fe: {  	v9 =	vld [tilespmem:s15+$0xFFFFFFC0];
	v7 =	vmul.f32 v0, v11;
	v0 =	vadd.f32 v15, v14  }
0x1ff: {  	v12 =	vld [tilespmem:s15+$0xFFFFFFD0]  }
0x200: {  	v10 =	vld [tilespmem:s15+$0xFFFFFFE0];
	v0 =	vmul.f32 v0, v13;
	v13 =	vadd.f32 v18, v17  }
0x201: {  	s2 =	sadd.s32 $0x80, s2;
	v11 =	vld [tilespmem:s15+$0xFFFFFFF0]  }
0x202: {  	v14 =	vld [tilespmem:s15+$0x0]  }
0x203: {  	v5 =	vadd.f32 v5, v9;
	v9 =	vld [tilespmem:s15+$0x10]  }
0x204: {  	v2 =	vadd.f32 v2, v12;
	v12 =	vld [tilespmem:s15+$0x20]  }
0x205: {  	v4 =	vadd.f32 v8, v4;
	v5 =	vmax.f32 v5, $9.999999820e-15;
	v6 =	vadd.f32 v6, v10  }
0x206: {  	v3 =	vmul.f32 v13, v3;
	[tilespmem:s21+$0xFFFFFFC0] =	vst v5;
	v2 =	vmax.f32 v2, $9.999999820e-15;
	v5 =	vadd.f32 v7, v11  }
0x207: {  	v1 =	vmul.f32 v4, v1;
	[tilespmem:s21+$0xFFFFFFD0] =	vst v2;
	v2 =	vmax.f32 v6, $9.999999820e-15;
	v0 =	vadd.f32 v0, v14  }
0x208: {  	[tilespmem:s21+$0xFFFFFFE0] =	vst v2;
	v2 =	vmax.f32 v5, $9.999999820e-15;
	v3 =	vadd.f32 v3, v9  }
0x209: {  	[tilespmem:s21+$0xFFFFFFF0] =	vst v2;
	v0 =	vmax.f32 v0, $9.999999820e-15;
	v1 =	vadd.f32 v1, v12  }
0x20a: {  	s2 =	sadd.s32 s13, s10;
	[tilespmem:s21+$0x0] =	vst v0;
	v0 =	vmax.f32 v3, $9.999999820e-15  }
0x20b: {  	s2 =	sshrl.u32 s2, $0x3;
	[tilespmem:s21+$0x10] =	vst v0;
	v0 =	vmax.f32 v1, $9.999999820e-15  }
0x20c: {  	s20 =	simm.s32 $0x5000;
	s2 =	sadd.s32 s5, s2;
	[tilespmem:s21+$0x20] =	vst v0  }
0x20d: {  	[hbm4b:s2+s0] =	stream.linear.scatter [tilespmem:s20], [sflag:$0x7], $0x1000, $0x38;
	[tilespmem:$0x1C000] =	vst v63  }
0x20e: {  	_ =	swait.ge [sflag:s25], $0x1000  }
0x20f: {  	[sflag:s25] =	ssyncset.done $0x0  }
0x210: {  	[sflag:s25] =	ssyncadd.s32 $0xFFFFF000  }
0x211: {  	[tilespmem:s26], [sflag:$0x5] =	stream.indirect.gather [spmem:s23], $0x1, s0, s26, $0xb8;
	[tilespmem:$0x1C000] =	vst v63  }
0x212: {  	s24 =	simm.s32 $0x2000;
	s21 =	sadd.s32 s16, s11  }
0x213: {  	[tilespmem:s24], [sflag:$0x3] =	stream.linear.gather [hbm4b:s21+s0], $0x1000, $0x38;
	[tilespmem:$0x1C000] =	vst v63  }
0x214: {  	s10 =	sadd.s32 s17, s11;
	s14 =	simm.s32 $0x3000  }
0x215: {  	[tilespmem:s14], [sflag:$0x3] =	stream.linear.gather [hbm4b:s10+s0], $0x1000, $0x38;
	[tilespmem:$0x1C000] =	vst v63  }
0x216: {  	s15 =	sadd.s32 s18, s11;
	s20 =	simm.s32 $0x4000  }
0x217: {  	[tilespmem:s20], [sflag:$0x3] =	stream.linear.gather [hbm4b:s15+s0], $0x1000, $0x38;
	[tilespmem:$0x1C000] =	vst v63  }
0x218: {  	_ =	swait.ge [sflag:s3], $0x1000  }
0x219: {  	[sflag:s3] =	ssyncset.done $0x0  }
0x21a: {  	[sflag:s3] =	ssyncadd.s32 $0xFFFFF000  }
0x21b: {  	_ =	swait.ge [sflag:s3], $0x1000  }
0x21c: {  	[sflag:s3] =	ssyncset.done $0x0  }
0x21d: {  	[sflag:s3] =	ssyncadd.s32 $0xFFFFF000  }
0x21e: {  	_ =	swait.ge [sflag:s3], $0x1000  }
0x21f: {  	[sflag:s3] =	ssyncset.done $0x0  }
0x220: {  	[sflag:s3] =	ssyncadd.s32 $0xFFFFF000  }
0x221: {  	_ =	swait.ge [sflag:s4], $0x1000  }
0x222: {  	s21 =	smin.u32 s9, $0x1C;
	[sflag:s4] =	ssyncset.done $0x0  }
0x223: {  	s2 =	sshll.u32 s21, $0xC;
	[sflag:s4] =	ssyncadd.s32 $0xFFFFF000  }
0x224: {  	s2 =	sadd.s32 s2, s7;
	_ =	swait.ge [sflag:s29], $0x1000  }
0x225: {  	s2 =	sshrl.u32 s2, $0x3;
	[sflag:s29] =	ssyncset.done $0x0  }
0x226: {  	s24 =	simm.s32 $0x7040;
	s2 =	sadd.s32 s22, s2;
	[sflag:s29] =	ssyncadd.s32 $0xFFFFF000  }
0x227: {  	[tilespmem:s8], [sflag:$0x2] =	stream.linear.gather [hbm4b:s2+s0], $0x1000, $0x38;
	[tilespmem:$0x1C000] =	vst v63  }
0x228: {  	v0 =	vld [tilespmem:s24+$0x30]  }
0x229: {  	v1 =	vld [tilespmem:s24+$0xFFFFFFD0]  }
0x22a: {  	v2 =	vld [tilespmem:s24+$0xFFFFFFE0]  }
0x22b: {  	v3 =	vld [tilespmem:s24+$0xFFFFFFF0]  }
0x22c: {  	v4 =	vld [tilespmem:s24+$0x0]  }
0x22d: {  	v5 =	vld [tilespmem:s24+$0x10];
	v0 =	vmul.f32 $1.442695020e+00, v0  }
0x22e: {  	v6 =	vld [tilespmem:s24+$0x20];
	v1 =	vmul.f32 $1.442695020e+00, v1  }
0x22f: {  	v7 =	vld [tilespmem:s24+$0xFFFFFFC0];
	v2 =	vmul.f32 $1.442695020e+00, v2;
	(erf) = vpow2.f32 v0  }
0x230: {  	v0 =	vmul.f32 $1.442695020e+00, v3;
	(erf) = vpow2.f32 v1  }
0x231: {  	s9 =	simm.s32 $0x9040;
	v1 =	vmul.f32 $1.442695020e+00, v4;
	(erf) = vpow2.f32 v2  }
0x232: {  	v9 =	vld [tilespmem:s9+$0xFFFFFFE0];
	v2 =	vmul.f32 $1.442695020e+00, v5;
	(erf) = vpow2.f32 v0  }
0x233: {  	s10 =	simm.s32 $0xA040;
	v13 =	vld [tilespmem:s9+$0xFFFFFFF0];
	v3 =	vmul.f32 $1.442695020e+00, v6;
	(erf) = vpow2.f32 v1  }
0x234: {  	v15 =	vld [tilespmem:s10+$0xFFFFFFF0];
	v4 =	vmul.f32 $1.442695020e+00, v7;
	(erf) = vpow2.f32 v2  }
0x235: {  	v16 =	vld [tilespmem:s9+$0x0];
	(erf) = vpow2.f32 v3  }
0x236: {  	v7 =	vld [tilespmem:s10+$0xFFFFFFD0];
	(erf) = vpow2.f32 v4  }
0x237: {  	v0 =	vld [tilespmem:s9+$0x30]  }
0x238: {  	v1 =	vld [tilespmem:s10+$0x30];
	v6 =	vpop (erf)  }
0x239: {  	v2 =	vld [tilespmem:s9+$0xFFFFFFC0];
	v8 =	vpop (erf)  }
0x23a: {  	v3 =	vld [tilespmem:s10+$0xFFFFFFC0];
	v10 =	vpop (erf)  }
0x23b: {  	v4 =	vld [tilespmem:s9+$0xFFFFFFD0];
	v12 =	vpop (erf)  }
0x23c: {  	s11 =	simm.s32 $0x8040;
	v18 =	vld [tilespmem:s10+$0x0];
	v14 =	vpop (erf)  }
0x23d: {  	v5 =	vld [tilespmem:s11+$0x30];
	v0 =	vadd.f32 v1, v0;
	v6 =	vmul.f32 $5.000000000e-01, v6;
	v1 =	vpop (erf)  }
0x23e: {  	v11 =	vld [tilespmem:s10+$0xFFFFFFE0];
	v17 =	vpop (erf)  }
0x23f: {  	v19 =	vld [tilespmem:s9+$0x10];
	v3 =	vadd.f32 v3, v2;
	v0 =	vmul.f32 v0, v6;
	v2 =	vpop (erf)  }
0x240: {  	v20 =	vld [tilespmem:s10+$0x10];
	v6 =	vmul.f32 $5.000000000e-01, v8;
	v7 =	vadd.f32 v7, v4;
	v8 =	vmul.f32 $5.000000000e-01, v2  }
0x241: {  	v13 =	vadd.f32 v15, v13;
	v15 =	vadd.f32 v18, v16;
	v4 =	vld [tilespmem:s9+$0x20]  }
0x242: {  	v0 =	vadd.f32 v0, v5;
	v2 =	vmul.f32 v7, v6;
	v5 =	vmul.f32 v3, v8;
	v8 =	vld [tilespmem:s10+$0x20]  }
0x243: {  	v6 =	vadd.f32 v11, v9;
	v7 =	vmul.f32 $5.000000000e-01, v10;
	v11 =	vmul.f32 $5.000000000e-01, v12;
	v9 =	vld [tilespmem:s11+$0xFFFFFFC0]  }
0x244: {  	v14 =	vmul.f32 $5.000000000e-01, v14;
	v0 =	vmax.f32 v0, $9.999999820e-15;
	v12 =	vld [tilespmem:s11+$0xFFFFFFD0];
	v3 =	vmul.f32 $5.000000000e-01, v1  }
0x245: {  	s14 =	simm.s32 $0xB040;
	v10 =	vld [tilespmem:s11+$0xFFFFFFE0];
	v6 =	vmul.f32 v6, v7;
	v7 =	vmul.f32 v13, v11;
	v13 =	vadd.f32 v20, v19  }
0x246: {  	s15 =	simm.s32 $0x0;
	s2 =	simm.s32 $0x70C0;
	[tilespmem:s14+$0x30] =	vst v0;
	v0 =	vmul.f32 v15, v14;
	v1 =	vmul.f32 $5.000000000e-01, v17;
	v11 =	vld [tilespmem:s11+$0xFFFFFFF0]  }
.LBB2_9:
0x247: {  	v14 =	vld [tilespmem:s2+$0x30];
	s15 =	sadd.s32 $0x8, s15;
	v3 =	vmul.f32 v13, v3;
	v4 =	vadd.f32 v8, v4  }
0x248: {  	v8 =	vld [tilespmem:s2+$0xFFFFFFD0];
	p0 =	slt.u32 s15, $0xF8;
	v5 =	vadd.f32 v5, v9  }
0x249: {  	v9 =	vld [tilespmem:s2+$0xFFFFFFE0];
	v2 =	vadd.f32 v2, v12;
	v1 =	vmul.f32 v4, v1  }
0x24a: {  	v4 =	vld [tilespmem:s2+$0xFFFFFFF0];
	v5 =	vmax.f32 v5, $9.999999820e-15;
	v6 =	vadd.f32 v6, v10  }
0x24b: {  	v10 =	vld [tilespmem:s2+$0x0];
	[tilespmem:s14+$0xFFFFFFC0] =	vst v5;
	v2 =	vmax.f32 v2, $9.999999820e-15;
	v5 =	vadd.f32 v7, v11  }
0x24c: {  	v7 =	vld [tilespmem:s2+$0x10];
	v11 =	vmul.f32 $1.442695020e+00, v14;
	[tilespmem:s14+$0xFFFFFFD0] =	vst v2;
	v2 =	vmax.f32 v6, $9.999999820e-15  }
0x24d: {  	v6 =	vmul.f32 $1.442695020e+00, v8;
	v8 =	vld [tilespmem:s2+$0x20];
	[tilespmem:s14+$0xFFFFFFE0] =	vst v2;
	v2 =	vmax.f32 v5, $9.999999820e-15  }
0x24e: {  	v5 =	vld [tilespmem:s2+$0xFFFFFFC0];
	v9 =	vmul.f32 $1.442695020e+00, v9;
	(erf) = vpow2.f32 v11;
	[tilespmem:s14+$0xFFFFFFF0] =	vst v2  }
0x24f: {  	v2 =	vmul.f32 $1.442695020e+00, v4;
	(erf) = vpow2.f32 v6;
	v4 =	vld [tilespmem:s11+$0x0]  }
0x250: {  	v6 =	vmul.f32 $1.442695020e+00, v10;
	(erf) = vpow2.f32 v9;
	v9 =	vld [tilespmem:s11+$0x10]  }
0x251: {  	s9 =	sadd.s32 $0x80, s9;
	v7 =	vmul.f32 $1.442695020e+00, v7;
	(erf) = vpow2.f32 v2;
	v2 =	vld [tilespmem:s11+$0x20]  }
0x252: {  	s10 =	sadd.s32 $0x80, s10;
	v8 =	vmul.f32 $1.442695020e+00, v8;
	v10 =	vld [tilespmem:s9+$0x30];
	(erf) = vpow2.f32 v6  }
0x253: {  	v5 =	vmul.f32 $1.442695020e+00, v5;
	v6 =	vld [tilespmem:s10+$0x30];
	(erf) = vpow2.f32 v7  }
0x254: {  	v7 =	vld [tilespmem:s9+$0xFFFFFFC0];
	(erf) = vpow2.f32 v8;
	v0 =	vadd.f32 v0, v4  }
0x255: {  	v4 =	vld [tilespmem:s10+$0xFFFFFFC0];
	(erf) = vpow2.f32 v5;
	v3 =	vadd.f32 v3, v9  }
0x256: {  	s11 =	sadd.s32 $0x80, s11;
	v5 =	vld [tilespmem:s9+$0xFFFFFFD0];
	v0 =	vmax.f32 v0, $9.999999820e-15;
	v11 =	vadd.f32 v1, v2  }
0x257: {  	v2 =	vld [tilespmem:s11+$0x30];
	v8 =	vpop (erf);
	[tilespmem:s14+$0x0] =	vst v0;
	v0 =	vmax.f32 v3, $9.999999820e-15  }
0x258: {  	v3 =	vld [tilespmem:s10+$0xFFFFFFD0];
	v8 =	vmul.f32 $5.000000000e-01, v8;
	v12 =	vadd.f32 v6, v10;
	v9 =	vpop (erf);
	[tilespmem:s14+$0x10] =	vst v0;
	v0 =	vmax.f32 v11, $9.999999820e-15  }
0x259: {  	v9 =	vmul.f32 $5.000000000e-01, v9;
	v10 =	vld [tilespmem:s9+$0xFFFFFFE0];
	v1 =	vpop (erf);
	[tilespmem:s14+$0x20] =	vst v0  }
0x25a: {  	v0 =	vadd.f32 v4, v7;
	v4 =	vmul.f32 $5.000000000e-01, v1;
	v7 =	vld [tilespmem:s10+$0xFFFFFFE0];
	v14 =	vmul.f32 v12, v8;
	v6 =	vpop (erf)  }
0x25b: {  	v11 =	vmul.f32 $5.000000000e-01, v6;
	v8 =	vld [tilespmem:s9+$0xFFFFFFF0];
	v6 =	vpop (erf)  }
0x25c: {  	v12 =	vld [tilespmem:s10+$0xFFFFFFF0];
	v13 =	vmul.f32 $5.000000000e-01, v6;
	v16 =	vadd.f32 v14, v2;
	v1 =	vpop (erf)  }
0x25d: {  	v5 =	vadd.f32 v3, v5;
	v14 =	vld [tilespmem:s9+$0x0];
	v3 =	vmul.f32 $5.000000000e-01, v1;
	v1 =	vpop (erf)  }
0x25e: {  	s14 =	sadd.s32 $0x80, s14;
	v15 =	vld [tilespmem:s10+$0x0];
	v1 =	vmul.f32 $5.000000000e-01, v1;
	v6 =	vmax.f32 v16, $9.999999820e-15;
	v2 =	vpop (erf)  }
0x25f: {  	v16 =	vmul.f32 $5.000000000e-01, v2;
	v2 =	vmul.f32 v5, v9;
	v7 =	vadd.f32 v7, v10;
	v17 =	vld [tilespmem:s9+$0x10];
	[tilespmem:s14+$0x30] =	vst v6  }
0x260: {  	v18 =	vld [tilespmem:s10+$0x10]  }
0x261: {  	v5 =	vmul.f32 v0, v16;
	v6 =	vmul.f32 v7, v4;
	v0 =	vadd.f32 v12, v8;
	v4 =	vld [tilespmem:s9+$0x20]  }
.Ltmp3:
0x262: {  	v8 =	vld [tilespmem:s10+$0x20];
	(pc) =	sbr.rel @p0 .LBB2_9-.Ltmp3, $4  }
0x263: {  	v9 =	vld [tilespmem:s11+$0xFFFFFFC0];
	v7 =	vmul.f32 v0, v11;
	v0 =	vadd.f32 v15, v14  }
0x264: {  	v12 =	vld [tilespmem:s11+$0xFFFFFFD0]  }
0x265: {  	v10 =	vld [tilespmem:s11+$0xFFFFFFE0];
	v0 =	vmul.f32 v0, v13;
	v13 =	vadd.f32 v18, v17  }
0x266: {  	s2 =	sadd.s32 $0x80, s2;
	v11 =	vld [tilespmem:s11+$0xFFFFFFF0]  }
0x267: {  	v14 =	vld [tilespmem:s11+$0x0]  }
0x268: {  	v57 =	vld [tilespmem:s11+$0x10];
	v5 =	vadd.f32 v5, v9  }
0x269: {  	v58 =	vld [tilespmem:s11+$0x20];
	v2 =	vadd.f32 v2, v12  }
0x26a: {  	v4 =	vadd.f32 v8, v4;
	v5 =	vmax.f32 v5, $9.999999820e-15;
	v6 =	vadd.f32 v6, v10  }
0x26b: {  	v3 =	vmul.f32 v13, v3;
	[tilespmem:s14+$0xFFFFFFC0] =	vst v5;
	v2 =	vmax.f32 v2, $9.999999820e-15;
	v59 =	vadd.f32 v7, v11  }
0x26c: {  	s30 =	sadd.s32 $0x1, s30;
	v1 =	vmul.f32 v4, v1;
	[tilespmem:s14+$0xFFFFFFD0] =	vst v2;
	v60 =	vmax.f32 v6, $9.999999820e-15;
	v0 =	vadd.f32 v0, v14  }
0x26d: {  	p0 =	sne.s32 s30, $0x10;
	v3 =	vadd.f32 v3, v57;
	[tilespmem:s14+$0xFFFFFFE0] =	vst v60;
	v61 =	vmax.f32 v59, $9.999999820e-15  }
.Ltmp4:
0x26e: {  	v1 =	vadd.f32 v1, v58;
	[tilespmem:s14+$0xFFFFFFF0] =	vst v61;
	v0 =	vmax.f32 v0, $9.999999820e-15;
	(pc) =	sbr.rel @p0 .LBB2_6-.Ltmp4, $4  }
0x26f: {  	v62 =	vmax.f32 v3, $9.999999820e-15;
	[tilespmem:s14+$0x0] =	vst v0  }
0x270: {  	v63 =	vmax.f32 v1, $9.999999820e-15;
	[tilespmem:s14+$0x10] =	vst v62  }
0x271: {  	s2 =	sadd.s32 s5, s31;
	s9 =	simm.s32 $0xB000;
	[tilespmem:s14+$0x20] =	vst v63  }
0x272: {  	[hbm4b:s2+s0] =	stream.linear.scatter [tilespmem:s9], [sflag:$0x8], $0x1000, $0x38;
	[tilespmem:$0x1C000] =	vst v63  }
0x273: {  	_ =	swait.ge [sflag:s19], $0x1000  }
0x274: {  	[sflag:s19] =	ssyncset.done $0x0  }
0x275: {  	[sflag:s19] =	ssyncadd.s32 $0xFFFFF000  }
0x276: {  	_ =	swait.ge [sflag:s19], $0x1000  }
0x277: {  	[sflag:s19] =	ssyncset.done $0x0  }
0x278: {  	[sflag:s19] =	ssyncadd.s32 $0xFFFFF000  }
0x279: {  	_ =	swait.ge [sflag:s19], $0x1000  }
0x27a: {  	[sflag:s19] =	ssyncset.done $0x0  }
0x27b: {  	[sflag:s19] =	ssyncadd.s32 $0xFFFFF000  }
0x27c: {  	_ =	swait.ge [sflag:s1], $0x1000  }
0x27d: {  	[sflag:s1] =	ssyncset.done $0x0  }
0x27e: {  	[sflag:s1] =	ssyncadd.s32 $0xFFFFF000  }
0x27f: {  	_ =	swait.ge [sflag:s28], $0x1000  }
0x280: {  	[sflag:s28] =	ssyncset.done $0x0  }
0x281: {  	[sflag:s28] =	ssyncadd.s32 $0xFFFFF000  }
0x282: {  	_ =	swait.ge [sflag:s12], $0x1000  }
0x283: {  	[sflag:s12] =	ssyncset.done $0x0  }
0x284: {  	[sflag:s12] =	ssyncadd.s32 $0xFFFFF000  }
0x285: {  	_ =	swait.ge [sflag:s29], $0x1000  }
0x286: {  	s9 =	sld [smem:$0x7E4]  }
0x287: {  	s2 =	sld [smem:$0x7FA];
	_ =	sdelay $0x1  }
0x288: {  	s9 =	sadd.s32 $0x1, s9  }
0x289: {  	p0 =	sne.s32 s9, s2  }
.Ltmp5:
0x28a: {  	_ = 	snop;
	(pc) =	sbr.rel @p0 .LBB2_1-.Ltmp5, $3  }
0x28b: {  	_ =	sdelay $0x1  }
0x28c: {  	[sflag:s29] =	ssyncset.done $0x0  }
0x28d: {  	[sflag:s29] =	ssyncadd.s32 $0xFFFFF000  }
0x28e: {  	_ =	sfence.sel $0x180000  }
0x28f: {  	[bflag:$0x0] =	sbarrier.arrive $0xFFFF  }
0x290: {  	_ =	strace $0x90000047  }
0x291: {  	s0 =	stileid.u32;
	[bflag:$0x2] =	sbarrier.arrive $0xFFFF  }
0x292: {  	p0 =	sne.s32 s0, $0x0;
	s0 =	rddreg [dreg:$0x7]  }
0x293: {  	s0 =	sadd.s32 @!p0 $0x100000, s0  }
0x294: {  	[sflag:s0] =	ssyncadd.tile.s32 @!p0 $0x1;
	_ =	shalt  }
.Lfunc_end2:
_tile_overlayer_lowered:
.L_overlay_start_2:
0x295: {  	(tag) =	ssettag $0x2  }
0x296: {  	s0 =	rddreg [dreg:$0x0];
	s2 =	stileid.u32  }
0x297: {  	s1 =	rddreg [dreg:$0x1];
	p0 =	sne.s32 s2, $0x0  }
0x298: {  	s3 =	rddreg [dreg:$0x2];
	[bflag:$0x3] =	sbarrier.arrive $0xFFFF;
	s2 =	simm.s32 @!p0 $0x1C0B  }
0x299: {  	[timem:s3], [sflag:s2] =	dma.local @!p0 [hbm:s0], s1  }
0x29a: {  	s0 =	simm.s32 @!p0 $0xB  }
0x29b: {  	_ =	swait.ge @!p0 [sflag:s0], s1  }
0x29c: {  	s1 =	ssub.s32 @!p0 $0x0, s1;
	[sflag:s0] =	ssyncset.done @!p0 $0x0  }
0x29d: {  	[sflag:s0] =	ssyncadd.s32 @!p0 s1  }
0x29e: {  	[bflag:$0x3] =	sbarrier.arrive $0xFFFF  }
0x29f: {  	_ =	shalt  }

</sc_bundles>
